<compile_context>
chip_gen: v7x
topology: tpu7x:2x2x1
jax: 0.10.2.dev20260603
libtpu: 0.0.44.dev20260713+nightly
codegen_flags: <defaults>
</compile_context>

<pallas_src>
import jax
import jax.numpy as jnp
from jax import lax
from jax.experimental import pallas as pl
from jax.experimental.pallas import tpu as pltpu, tpu_sc as plsc

B = 4096
F = 26
V = 100000
D = 32
L = 50

LSEQ = 64
CHUNK = 32
SP_SLOTS = 27
SP_IDX = CHUNK * SP_SLOTS
SP_IDX_PAD = 1024
SEQ_IDX = CHUNK * LSEQ
N_CHUNKS = B // CHUNK


def _sc_kernel_body(idx_sp_hbm, idx_seq_hbm, tables_hbm, seq_table_hbm,
                    out_hbm, sp_dst, seq_dst, idx_sp_v, idx_seq_v, sem):
    info = plsc.get_sparse_core_info()
    nc = info.num_cores
    wid = lax.axis_index("s") * nc + lax.axis_index("c")
    n_workers = nc * info.num_subcores
    chunks_per_w = N_CHUNKS // n_workers

    def do_chunk(ci, carry):
        g = wid * chunks_per_w + ci
        with jax.named_scope("stage_idx"):
            pltpu.sync_copy(idx_sp_hbm.at[pl.ds(g * (SP_IDX_PAD // 128),
                                                SP_IDX_PAD // 128)], idx_sp_v)
            pltpu.sync_copy(idx_seq_hbm.at[pl.ds(g * (SEQ_IDX // 128),
                                                 SEQ_IDX // 128)], idx_seq_v)
        with jax.named_scope("gathers"):
            handles = []
            for j in range(SP_IDX_PAD // 128):
                handles.append(pltpu.async_copy(
                    tables_hbm.at[idx_sp_v.at[j]],
                    sp_dst.at[pl.ds(j * 128, 128)], sem))
            for j in range(SEQ_IDX // 128):
                handles.append(pltpu.async_copy(
                    seq_table_hbm.at[idx_seq_v.at[j]],
                    seq_dst.at[pl.ds(j * 128, 128)], sem))
            for h in handles:
                h.wait()

        def pool_row(r, inner):
            acc0 = jnp.zeros((16,), jnp.float32)
            acc1 = jnp.zeros((16,), jnp.float32)
            base = r * LSEQ
            for l in range(LSEQ):
                acc0 = acc0 + seq_dst[base + l, pl.ds(0, 16)]
                acc1 = acc1 + seq_dst[base + l, pl.ds(16, 16)]
            cnt = jnp.zeros((16,), jnp.int32)
            row = r // 2
            col = (r % 2) * LSEQ
            for k in range(LSEQ // 16):
                ids = idx_seq_v[row, pl.ds(col + k * 16, 16)]
                cnt = cnt + jnp.minimum(jnp.abs(ids), 1)
            denom = jnp.sum(cnt).astype(jnp.float32) + jnp.float32(1e-16)
            slot = r * SP_SLOTS + (SP_SLOTS - 1)
            sp_dst[slot, pl.ds(0, 16)] = acc0 / denom
            sp_dst[slot, pl.ds(16, 16)] = acc1 / denom
            return inner

        with jax.named_scope("pool"):
            lax.fori_loop(0, CHUNK, pool_row, 0)

        with jax.named_scope("store"):
            pltpu.sync_copy(sp_dst.at[pl.ds(0, SP_IDX)],
                            out_hbm.at[pl.ds(g * SP_IDX, SP_IDX)])
        return carry

    lax.fori_loop(0, chunks_per_w, do_chunk, 0)


@jax.jit
def kernel(sparse_ids, seq_ids, sparse_tables, seq_table):
    ids32 = sparse_ids.astype(jnp.int32)
    seq32 = seq_ids.astype(jnp.int32)

    idx_sp = ids32 + (jnp.arange(F, dtype=jnp.int32) * V)[None, :]
    idx_sp = jnp.pad(idx_sp, ((0, 0), (0, 1)))
    idx_sp = idx_sp.reshape(B // CHUNK, SP_IDX)
    idx_sp = jnp.pad(idx_sp, ((0, 0), (0, SP_IDX_PAD - SP_IDX)))
    idx_sp = idx_sp.reshape(-1, 128)

    idx_seq = jnp.pad(seq32, ((0, 0), (0, LSEQ - L)))
    idx_seq = idx_seq.reshape(-1, 128)

    tables_flat = sparse_tables.reshape(F * V, D)

    run = pl.kernel(
        _sc_kernel_body,
        out_type=jax.ShapeDtypeStruct((B * SP_SLOTS, D), jnp.float32),
        mesh=plsc.VectorSubcoreMesh(core_axis_name="c", subcore_axis_name="s"),
        compiler_params=pltpu.CompilerParams(use_tc_tiling_on_sc=False,
                                             needs_layout_passes=False),
        scratch_types=[
            pltpu.VMEM((SP_IDX_PAD, D), jnp.float32),
            pltpu.VMEM((SEQ_IDX, D), jnp.float32),
            pltpu.VMEM((SP_IDX_PAD // 128, 128), jnp.int32),
            pltpu.VMEM((SEQ_IDX // 128, 128), jnp.int32),
            pltpu.SemaphoreType.DMA,
        ],
    )
    out = run(idx_sp, idx_seq, tables_flat, seq_table)
    return out.reshape(B, F * D + D)

# --- scband reference (transcript-rebuilt; emitter-appended) ---
"""Pipeline reference for scband-embedding-layer-40767829574252 (READ-ONLY COPY).

The authoritative reference and input builder live on the scoring server;
editing this copy changes nothing except your own understanding.
"""

import jax, jax.numpy as jnp
import numpy as np

B = 4096      # batch
F = 26        # number of sparse fields
V = 100000    # vocab per table
D = 32        # embedding dim
L = 50        # history sequence length


def setup_inputs(seed: int = 0) -> dict:
    key = jax.random.key(seed)
    k1, k2, k3, k4 = jax.random.split(key, 4)
    sparse_ids = jax.random.randint(k1, (B, F), 0, V, dtype=jnp.int64 if jax.config.jax_enable_x64 else jnp.int32)
    seq_ids = jax.random.randint(k2, (B, L), 0, V, dtype=jnp.int64 if jax.config.jax_enable_x64 else jnp.int32)
    sparse_tables = jax.random.normal(k3, (F, V, D), dtype=jnp.float32) * 0.01
    seq_table = jax.random.normal(k4, (V, D), dtype=jnp.float32) * 0.01
    # nn.Embedding(padding_idx=0) zero-initializes the padding row
    seq_table = seq_table.at[0].set(0.0)
    return {"sparse_ids": sparse_ids, "seq_ids": seq_ids,
            "sparse_tables": sparse_tables, "seq_table": seq_table}


def reference(sparse_ids, seq_ids, sparse_tables, seq_table):
    # --- sparse feature lookups: one gather per field (vectorized) ---
    field_idx = jnp.arange(F)[None, :]                       # [1, F]
    sparse_emb = sparse_tables[field_idx, sparse_ids]        # [B, F, D]

    # --- sequence feature: embedding lookup + masked mean pooling ---
    seq_emb = jnp.take(seq_table, seq_ids, axis=0)           # [B, L, D]
    # InputMask: mask = (values != padding_idx), shape [B, 1, L]
    mask = (seq_ids != 0).astype(jnp.float32)[:, None, :]    # [B, 1, L]
    # AveragePooling: bmm(mask, x).squeeze(1) / (mask.sum(-1) + 1e-16)
    summed = jnp.einsum('bol,bld->bod', mask, seq_emb)[:, 0, :]   # [B, D]
    lengths = jnp.sum(mask, axis=-1)                              # [B, 1]
    pooled = summed / (lengths + 1e-16)                           # [B, D]

    # --- squeeze_dim=True: flatten each sparse embed and concat ---
    flat_sparse = sparse_emb.reshape(B, F * D)               # [B, F*D]
    flat_pooled = pooled                                      # [B, D]
    out = jnp.concatenate([flat_sparse, flat_pooled], axis=1)  # [B, F*D + D]
    return out

if __name__ == "__main__":
    import jax
    _d = setup_inputs()
    print(jax.jit(kernel)(*tuple(_d.values())))

</pallas_src>

<mosaic_0001>
#map = affine_map<(d0, d1) -> (0, 0)>
module attributes {stable_mosaic.version = 14 : i64} {
  func.func @_sc_kernel_body(%arg0: i32, %arg1: i32, %arg2: memref<1024x128xi32, #tpu.memory_space<hbm>>, %arg3: memref<2048x128xi32, #tpu.memory_space<hbm>>, %arg4: memref<2600000x32xf32, #tpu.memory_space<hbm>>, %arg5: memref<100000x32xf32, #tpu.memory_space<hbm>>, %arg6: memref<110592x32xf32, #tpu.memory_space<hbm>>, %arg7: memref<1024x32xf32, #tpu.memory_space<vmem>>, %arg8: memref<2048x32xf32, #tpu.memory_space<vmem>>, %arg9: memref<8x128xi32, #tpu.memory_space<vmem>>, %arg10: memref<16x128xi32, #tpu.memory_space<vmem>>, %arg11: memref<!tpu.dma_semaphore, #tpu.memory_space<semaphore_mem>>) attributes {dimension_semantics = [#tpu.dimension_semantics<core_parallel>, #tpu.dimension_semantics<subcore_parallel>], iteration_bounds = array<i64: 2, 16>, scalar_prefetch = 0 : i64, scratch_operands = 5 : i64, tpu.core_type = #tpu.core_type<sc_vector_subcore>, window_params = [{transform_indices = #map}, {transform_indices = #map}, {transform_indices = #map}, {transform_indices = #map}, {transform_indices = #map}]} {
    %mul3A = arith.constant 2 : i32
    %mul3A_0 = arith.muli %arg1, %mul3A : i32
    %add3A = arith.addi %mul3A_0, %arg0 : i32
    %scan3A = arith.constant 0 : i32
    %scan3A_1 = arith.constant 0 : i32
    %scan3A_2 = arith.constant 4 : i32
    %scan3A_3 = arith.addi %scan3A_1, %scan3A_2 : i32
    %scan3A_4 = arith.constant 1 : i32
    scf.for %scan3A_6 = %scan3A_1 to %scan3A_3 step %scan3A_4  : i32 {
      %mul3A_7 = arith.constant 4 : i32
      %mul3A_8 = arith.muli %add3A, %mul3A_7 : i32
      %add3A_9 = arith.addi %mul3A_8, %scan3A_6 : i32
      "tpu.trace_start"() <{level = 10 : i32, message = "stage_idx"}> : () -> ()
      %mul3A_10 = arith.constant 8 : i32
      %mul3A_11 = arith.muli %add3A_9, %mul3A_10 : i32
      "tpu.region"() ({
        %run_scoped3A = tpu.sem_alloc : memref<!tpu.dma_semaphore, #tpu.memory_space<semaphore_mem>>
        %dma_start3A_500 = arith.constant 0 : i32
        %dma_start3A_501 = tpu.memref_slice %arg2[%mul3A_11, %dma_start3A_500] : memref<1024x128xi32, #tpu.memory_space<hbm>> -> memref<8x128xi32, #tpu.memory_space<hbm>>
        %dma_start3A_502 = arith.constant 0 : i32
        %dma_start3A_503 = tpu.memref_slice %arg2[%mul3A_11, %dma_start3A_502] : memref<1024x128xi32, #tpu.memory_space<hbm>> -> memref<8x128xi32, #tpu.memory_space<hbm>>
        tpu.enqueue_dma source(%dma_start3A_503 : memref<8x128xi32, #tpu.memory_space<hbm>>) target(%arg9 : memref<8x128xi32, #tpu.memory_space<vmem>>) target_semaphore(%run_scoped3A : memref<!tpu.dma_semaphore, #tpu.memory_space<semaphore_mem>>)
        %dma_wait3A_504 = arith.constant 0 : i32
        %dma_wait3A_505 = tpu.memref_slice %arg2[%mul3A_11, %dma_wait3A_504] : memref<1024x128xi32, #tpu.memory_space<hbm>> -> memref<8x128xi32, #tpu.memory_space<hbm>>
        %dma_wait3A_506 = arith.constant 0 : i32
        %dma_wait3A_507 = tpu.memref_slice %arg2[%mul3A_11, %dma_wait3A_506] : memref<1024x128xi32, #tpu.memory_space<hbm>> -> memref<8x128xi32, #tpu.memory_space<hbm>>
        tpu.wait_dma2 semaphore(%run_scoped3A : memref<!tpu.dma_semaphore, #tpu.memory_space<semaphore_mem>>) src(%dma_wait3A_507 : memref<8x128xi32, #tpu.memory_space<hbm>>) dst(%arg9 : memref<8x128xi32, #tpu.memory_space<vmem>>)
        tpu.yield
      }) : () -> ()
      %mul3A_12 = arith.constant 16 : i32
      %mul3A_13 = arith.muli %add3A_9, %mul3A_12 : i32
      "tpu.region"() ({
        %run_scoped3A = tpu.sem_alloc : memref<!tpu.dma_semaphore, #tpu.memory_space<semaphore_mem>>
        %dma_start3A_500 = arith.constant 0 : i32
        %dma_start3A_501 = tpu.memref_slice %arg3[%mul3A_13, %dma_start3A_500] : memref<2048x128xi32, #tpu.memory_space<hbm>> -> memref<16x128xi32, #tpu.memory_space<hbm>>
        %dma_start3A_502 = arith.constant 0 : i32
        %dma_start3A_503 = tpu.memref_slice %arg3[%mul3A_13, %dma_start3A_502] : memref<2048x128xi32, #tpu.memory_space<hbm>> -> memref<16x128xi32, #tpu.memory_space<hbm>>
        tpu.enqueue_dma source(%dma_start3A_503 : memref<16x128xi32, #tpu.memory_space<hbm>>) target(%arg10 : memref<16x128xi32, #tpu.memory_space<vmem>>) target_semaphore(%run_scoped3A : memref<!tpu.dma_semaphore, #tpu.memory_space<semaphore_mem>>)
        %dma_wait3A_504 = arith.constant 0 : i32
        %dma_wait3A_505 = tpu.memref_slice %arg3[%mul3A_13, %dma_wait3A_504] : memref<2048x128xi32, #tpu.memory_space<hbm>> -> memref<16x128xi32, #tpu.memory_space<hbm>>
        %dma_wait3A_506 = arith.constant 0 : i32
        %dma_wait3A_507 = tpu.memref_slice %arg3[%mul3A_13, %dma_wait3A_506] : memref<2048x128xi32, #tpu.memory_space<hbm>> -> memref<16x128xi32, #tpu.memory_space<hbm>>
        tpu.wait_dma2 semaphore(%run_scoped3A : memref<!tpu.dma_semaphore, #tpu.memory_space<semaphore_mem>>) src(%dma_wait3A_507 : memref<16x128xi32, #tpu.memory_space<hbm>>) dst(%arg10 : memref<16x128xi32, #tpu.memory_space<vmem>>)
        tpu.yield
      }) : () -> ()
      %dma_start3A = arith.constant 0 : i32
      "tpu.trace_stop"() : () -> ()
      "tpu.trace_start"() <{level = 10 : i32, message = "gathers"}> : () -> ()
      %dma_start3A_14 = arith.constant 0 : i32
      %dma_start3A_15 = arith.constant 0 : i32
      %dma_start3A_16 = tpu.memref_slice %arg7[%dma_start3A_14, %dma_start3A_15] : memref<1024x32xf32, #tpu.memory_space<vmem>> -> memref<128x32xf32, #tpu.memory_space<vmem>>
      %dma_start3A_17 = arith.constant 0 : i32
      %dma_start3A_18 = tpu.memref_slice %arg9[%dma_start3A, %dma_start3A_17] : memref<8x128xi32, #tpu.memory_space<vmem>> -> memref<1x128xi32, #tpu.memory_space<vmem>>
      %dma_start3A_19 = tpu.memref_squeeze %dma_start3A_18 : memref<1x128xi32, #tpu.memory_space<vmem>> -> memref<128xi32, #tpu.memory_space<vmem>>
      %dma_start3A_20 = arith.constant 0 : i32
      %dma_start3A_21 = arith.constant 0 : i32
      %dma_start3A_22 = tpu.memref_slice %arg4[%dma_start3A_20, %dma_start3A_21] : memref<2600000x32xf32, #tpu.memory_space<hbm>> -> memref<2600000x32xf32, #tpu.memory_space<hbm>>
      tpu.enqueue_indirect_dma source(%dma_start3A_22 : memref<2600000x32xf32, #tpu.memory_space<hbm>>) target(%dma_start3A_16 : memref<128x32xf32, #tpu.memory_space<vmem>>) offsets(%dma_start3A_19 : memref<128xi32, #tpu.memory_space<vmem>>) semaphore(%arg11 : memref<!tpu.dma_semaphore, #tpu.memory_space<semaphore_mem>>)
      %dma_start3A_23 = arith.constant 1 : i32
      %dma_start3A_24 = arith.constant 128 : i32
      %dma_start3A_25 = arith.constant 0 : i32
      %dma_start3A_26 = tpu.memref_slice %arg7[%dma_start3A_24, %dma_start3A_25] : memref<1024x32xf32, #tpu.memory_space<vmem>> -> memref<128x32xf32, #tpu.memory_space<vmem>>
      %dma_start3A_27 = arith.constant 0 : i32
      %dma_start3A_28 = tpu.memref_slice %arg9[%dma_start3A_23, %dma_start3A_27] : memref<8x128xi32, #tpu.memory_space<vmem>> -> memref<1x128xi32, #tpu.memory_space<vmem>>
      %dma_start3A_29 = tpu.memref_squeeze %dma_start3A_28 : memref<1x128xi32, #tpu.memory_space<vmem>> -> memref<128xi32, #tpu.memory_space<vmem>>
      %dma_start3A_30 = arith.constant 0 : i32
      %dma_start3A_31 = arith.constant 0 : i32
      %dma_start3A_32 = tpu.memref_slice %arg4[%dma_start3A_30, %dma_start3A_31] : memref<2600000x32xf32, #tpu.memory_space<hbm>> -> memref<2600000x32xf32, #tpu.memory_space<hbm>>
      tpu.enqueue_indirect_dma source(%dma_start3A_32 : memref<2600000x32xf32, #tpu.memory_space<hbm>>) target(%dma_start3A_26 : memref<128x32xf32, #tpu.memory_space<vmem>>) offsets(%dma_start3A_29 : memref<128xi32, #tpu.memory_space<vmem>>) semaphore(%arg11 : memref<!tpu.dma_semaphore, #tpu.memory_space<semaphore_mem>>)
      %dma_start3A_33 = arith.constant 2 : i32
      %dma_start3A_34 = arith.constant 256 : i32
      %dma_start3A_35 = arith.constant 0 : i32
      %dma_start3A_36 = tpu.memref_slice %arg7[%dma_start3A_34, %dma_start3A_35] : memref<1024x32xf32, #tpu.memory_space<vmem>> -> memref<128x32xf32, #tpu.memory_space<vmem>>
      %dma_start3A_37 = arith.constant 0 : i32
      %dma_start3A_38 = tpu.memref_slice %arg9[%dma_start3A_33, %dma_start3A_37] : memref<8x128xi32, #tpu.memory_space<vmem>> -> memref<1x128xi32, #tpu.memory_space<vmem>>
      %dma_start3A_39 = tpu.memref_squeeze %dma_start3A_38 : memref<1x128xi32, #tpu.memory_space<vmem>> -> memref<128xi32, #tpu.memory_space<vmem>>
      %dma_start3A_40 = arith.constant 0 : i32
      %dma_start3A_41 = arith.constant 0 : i32
      %dma_start3A_42 = tpu.memref_slice %arg4[%dma_start3A_40, %dma_start3A_41] : memref<2600000x32xf32, #tpu.memory_space<hbm>> -> memref<2600000x32xf32, #tpu.memory_space<hbm>>
      tpu.enqueue_indirect_dma source(%dma_start3A_42 : memref<2600000x32xf32, #tpu.memory_space<hbm>>) target(%dma_start3A_36 : memref<128x32xf32, #tpu.memory_space<vmem>>) offsets(%dma_start3A_39 : memref<128xi32, #tpu.memory_space<vmem>>) semaphore(%arg11 : memref<!tpu.dma_semaphore, #tpu.memory_space<semaphore_mem>>)
      %dma_start3A_43 = arith.constant 3 : i32
      %dma_start3A_44 = arith.constant 384 : i32
      %dma_start3A_45 = arith.constant 0 : i32
      %dma_start3A_46 = tpu.memref_slice %arg7[%dma_start3A_44, %dma_start3A_45] : memref<1024x32xf32, #tpu.memory_space<vmem>> -> memref<128x32xf32, #tpu.memory_space<vmem>>
      %dma_start3A_47 = arith.constant 0 : i32
      %dma_start3A_48 = tpu.memref_slice %arg9[%dma_start3A_43, %dma_start3A_47] : memref<8x128xi32, #tpu.memory_space<vmem>> -> memref<1x128xi32, #tpu.memory_space<vmem>>
      %dma_start3A_49 = tpu.memref_squeeze %dma_start3A_48 : memref<1x128xi32, #tpu.memory_space<vmem>> -> memref<128xi32, #tpu.memory_space<vmem>>
      %dma_start3A_50 = arith.constant 0 : i32
      %dma_start3A_51 = arith.constant 0 : i32
      %dma_start3A_52 = tpu.memref_slice %arg4[%dma_start3A_50, %dma_start3A_51] : memref<2600000x32xf32, #tpu.memory_space<hbm>> -> memref<2600000x32xf32, #tpu.memory_space<hbm>>
      tpu.enqueue_indirect_dma source(%dma_start3A_52 : memref<2600000x32xf32, #tpu.memory_space<hbm>>) target(%dma_start3A_46 : memref<128x32xf32, #tpu.memory_space<vmem>>) offsets(%dma_start3A_49 : memref<128xi32, #tpu.memory_space<vmem>>) semaphore(%arg11 : memref<!tpu.dma_semaphore, #tpu.memory_space<semaphore_mem>>)
      %dma_start3A_53 = arith.constant 4 : i32
      %dma_start3A_54 = arith.constant 512 : i32
      %dma_start3A_55 = arith.constant 0 : i32
      %dma_start3A_56 = tpu.memref_slice %arg7[%dma_start3A_54, %dma_start3A_55] : memref<1024x32xf32, #tpu.memory_space<vmem>> -> memref<128x32xf32, #tpu.memory_space<vmem>>
      %dma_start3A_57 = arith.constant 0 : i32
      %dma_start3A_58 = tpu.memref_slice %arg9[%dma_start3A_53, %dma_start3A_57] : memref<8x128xi32, #tpu.memory_space<vmem>> -> memref<1x128xi32, #tpu.memory_space<vmem>>
      %dma_start3A_59 = tpu.memref_squeeze %dma_start3A_58 : memref<1x128xi32, #tpu.memory_space<vmem>> -> memref<128xi32, #tpu.memory_space<vmem>>
      %dma_start3A_60 = arith.constant 0 : i32
      %dma_start3A_61 = arith.constant 0 : i32
      %dma_start3A_62 = tpu.memref_slice %arg4[%dma_start3A_60, %dma_start3A_61] : memref<2600000x32xf32, #tpu.memory_space<hbm>> -> memref<2600000x32xf32, #tpu.memory_space<hbm>>
      tpu.enqueue_indirect_dma source(%dma_start3A_62 : memref<2600000x32xf32, #tpu.memory_space<hbm>>) target(%dma_start3A_56 : memref<128x32xf32, #tpu.memory_space<vmem>>) offsets(%dma_start3A_59 : memref<128xi32, #tpu.memory_space<vmem>>) semaphore(%arg11 : memref<!tpu.dma_semaphore, #tpu.memory_space<semaphore_mem>>)
      %dma_start3A_63 = arith.constant 5 : i32
      %dma_start3A_64 = arith.constant 640 : i32
      %dma_start3A_65 = arith.constant 0 : i32
      %dma_start3A_66 = tpu.memref_slice %arg7[%dma_start3A_64, %dma_start3A_65] : memref<1024x32xf32, #tpu.memory_space<vmem>> -> memref<128x32xf32, #tpu.memory_space<vmem>>
      %dma_start3A_67 = arith.constant 0 : i32
      %dma_start3A_68 = tpu.memref_slice %arg9[%dma_start3A_63, %dma_start3A_67] : memref<8x128xi32, #tpu.memory_space<vmem>> -> memref<1x128xi32, #tpu.memory_space<vmem>>
      %dma_start3A_69 = tpu.memref_squeeze %dma_start3A_68 : memref<1x128xi32, #tpu.memory_space<vmem>> -> memref<128xi32, #tpu.memory_space<vmem>>
      %dma_start3A_70 = arith.constant 0 : i32
      %dma_start3A_71 = arith.constant 0 : i32
      %dma_start3A_72 = tpu.memref_slice %arg4[%dma_start3A_70, %dma_start3A_71] : memref<2600000x32xf32, #tpu.memory_space<hbm>> -> memref<2600000x32xf32, #tpu.memory_space<hbm>>
      tpu.enqueue_indirect_dma source(%dma_start3A_72 : memref<2600000x32xf32, #tpu.memory_space<hbm>>) target(%dma_start3A_66 : memref<128x32xf32, #tpu.memory_space<vmem>>) offsets(%dma_start3A_69 : memref<128xi32, #tpu.memory_space<vmem>>) semaphore(%arg11 : memref<!tpu.dma_semaphore, #tpu.memory_space<semaphore_mem>>)
      %dma_start3A_73 = arith.constant 6 : i32
      %dma_start3A_74 = arith.constant 768 : i32
      %dma_start3A_75 = arith.constant 0 : i32
      %dma_start3A_76 = tpu.memref_slice %arg7[%dma_start3A_74, %dma_start3A_75] : memref<1024x32xf32, #tpu.memory_space<vmem>> -> memref<128x32xf32, #tpu.memory_space<vmem>>
      %dma_start3A_77 = arith.constant 0 : i32
      %dma_start3A_78 = tpu.memref_slice %arg9[%dma_start3A_73, %dma_start3A_77] : memref<8x128xi32, #tpu.memory_space<vmem>> -> memref<1x128xi32, #tpu.memory_space<vmem>>
      %dma_start3A_79 = tpu.memref_squeeze %dma_start3A_78 : memref<1x128xi32, #tpu.memory_space<vmem>> -> memref<128xi32, #tpu.memory_space<vmem>>
      %dma_start3A_80 = arith.constant 0 : i32
      %dma_start3A_81 = arith.constant 0 : i32
      %dma_start3A_82 = tpu.memref_slice %arg4[%dma_start3A_80, %dma_start3A_81] : memref<2600000x32xf32, #tpu.memory_space<hbm>> -> memref<2600000x32xf32, #tpu.memory_space<hbm>>
      tpu.enqueue_indirect_dma source(%dma_start3A_82 : memref<2600000x32xf32, #tpu.memory_space<hbm>>) target(%dma_start3A_76 : memref<128x32xf32, #tpu.memory_space<vmem>>) offsets(%dma_start3A_79 : memref<128xi32, #tpu.memory_space<vmem>>) semaphore(%arg11 : memref<!tpu.dma_semaphore, #tpu.memory_space<semaphore_mem>>)
      %dma_start3A_83 = arith.constant 7 : i32
      %dma_start3A_84 = arith.constant 896 : i32
      %dma_start3A_85 = arith.constant 0 : i32
      %dma_start3A_86 = tpu.memref_slice %arg7[%dma_start3A_84, %dma_start3A_85] : memref<1024x32xf32, #tpu.memory_space<vmem>> -> memref<128x32xf32, #tpu.memory_space<vmem>>
      %dma_start3A_87 = arith.constant 0 : i32
      %dma_start3A_88 = tpu.memref_slice %arg9[%dma_start3A_83, %dma_start3A_87] : memref<8x128xi32, #tpu.memory_space<vmem>> -> memref<1x128xi32, #tpu.memory_space<vmem>>
      %dma_start3A_89 = tpu.memref_squeeze %dma_start3A_88 : memref<1x128xi32, #tpu.memory_space<vmem>> -> memref<128xi32, #tpu.memory_space<vmem>>
      %dma_start3A_90 = arith.constant 0 : i32
      %dma_start3A_91 = arith.constant 0 : i32
      %dma_start3A_92 = tpu.memref_slice %arg4[%dma_start3A_90, %dma_start3A_91] : memref<2600000x32xf32, #tpu.memory_space<hbm>> -> memref<2600000x32xf32, #tpu.memory_space<hbm>>
      tpu.enqueue_indirect_dma source(%dma_start3A_92 : memref<2600000x32xf32, #tpu.memory_space<hbm>>) target(%dma_start3A_86 : memref<128x32xf32, #tpu.memory_space<vmem>>) offsets(%dma_start3A_89 : memref<128xi32, #tpu.memory_space<vmem>>) semaphore(%arg11 : memref<!tpu.dma_semaphore, #tpu.memory_space<semaphore_mem>>)
      %dma_start3A_93 = arith.constant 0 : i32
      %dma_start3A_94 = arith.constant 0 : i32
      %dma_start3A_95 = arith.constant 0 : i32
      %dma_start3A_96 = tpu.memref_slice %arg8[%dma_start3A_94, %dma_start3A_95] : memref<2048x32xf32, #tpu.memory_space<vmem>> -> memref<128x32xf32, #tpu.memory_space<vmem>>
      %dma_start3A_97 = arith.constant 0 : i32
      %dma_start3A_98 = tpu.memref_slice %arg10[%dma_start3A_93, %dma_start3A_97] : memref<16x128xi32, #tpu.memory_space<vmem>> -> memref<1x128xi32, #tpu.memory_space<vmem>>
      %dma_start3A_99 = tpu.memref_squeeze %dma_start3A_98 : memref<1x128xi32, #tpu.memory_space<vmem>> -> memref<128xi32, #tpu.memory_space<vmem>>
      %dma_start3A_100 = arith.constant 0 : i32
      %dma_start3A_101 = arith.constant 0 : i32
      %dma_start3A_102 = tpu.memref_slice %arg5[%dma_start3A_100, %dma_start3A_101] : memref<100000x32xf32, #tpu.memory_space<hbm>> -> memref<100000x32xf32, #tpu.memory_space<hbm>>
      tpu.enqueue_indirect_dma source(%dma_start3A_102 : memref<100000x32xf32, #tpu.memory_space<hbm>>) target(%dma_start3A_96 : memref<128x32xf32, #tpu.memory_space<vmem>>) offsets(%dma_start3A_99 : memref<128xi32, #tpu.memory_space<vmem>>) semaphore(%arg11 : memref<!tpu.dma_semaphore, #tpu.memory_space<semaphore_mem>>)
      %dma_start3A_103 = arith.constant 1 : i32
      %dma_start3A_104 = arith.constant 128 : i32
      %dma_start3A_105 = arith.constant 0 : i32
      %dma_start3A_106 = tpu.memref_slice %arg8[%dma_start3A_104, %dma_start3A_105] : memref<2048x32xf32, #tpu.memory_space<vmem>> -> memref<128x32xf32, #tpu.memory_space<vmem>>
      %dma_start3A_107 = arith.constant 0 : i32
      %dma_start3A_108 = tpu.memref_slice %arg10[%dma_start3A_103, %dma_start3A_107] : memref<16x128xi32, #tpu.memory_space<vmem>> -> memref<1x128xi32, #tpu.memory_space<vmem>>
      %dma_start3A_109 = tpu.memref_squeeze %dma_start3A_108 : memref<1x128xi32, #tpu.memory_space<vmem>> -> memref<128xi32, #tpu.memory_space<vmem>>
      %dma_start3A_110 = arith.constant 0 : i32
      %dma_start3A_111 = arith.constant 0 : i32
      %dma_start3A_112 = tpu.memref_slice %arg5[%dma_start3A_110, %dma_start3A_111] : memref<100000x32xf32, #tpu.memory_space<hbm>> -> memref<100000x32xf32, #tpu.memory_space<hbm>>
      tpu.enqueue_indirect_dma source(%dma_start3A_112 : memref<100000x32xf32, #tpu.memory_space<hbm>>) target(%dma_start3A_106 : memref<128x32xf32, #tpu.memory_space<vmem>>) offsets(%dma_start3A_109 : memref<128xi32, #tpu.memory_space<vmem>>) semaphore(%arg11 : memref<!tpu.dma_semaphore, #tpu.memory_space<semaphore_mem>>)
      %dma_start3A_113 = arith.constant 2 : i32
      %dma_start3A_114 = arith.constant 256 : i32
      %dma_start3A_115 = arith.constant 0 : i32
      %dma_start3A_116 = tpu.memref_slice %arg8[%dma_start3A_114, %dma_start3A_115] : memref<2048x32xf32, #tpu.memory_space<vmem>> -> memref<128x32xf32, #tpu.memory_space<vmem>>
      %dma_start3A_117 = arith.constant 0 : i32
      %dma_start3A_118 = tpu.memref_slice %arg10[%dma_start3A_113, %dma_start3A_117] : memref<16x128xi32, #tpu.memory_space<vmem>> -> memref<1x128xi32, #tpu.memory_space<vmem>>
      %dma_start3A_119 = tpu.memref_squeeze %dma_start3A_118 : memref<1x128xi32, #tpu.memory_space<vmem>> -> memref<128xi32, #tpu.memory_space<vmem>>
      %dma_start3A_120 = arith.constant 0 : i32
      %dma_start3A_121 = arith.constant 0 : i32
      %dma_start3A_122 = tpu.memref_slice %arg5[%dma_start3A_120, %dma_start3A_121] : memref<100000x32xf32, #tpu.memory_space<hbm>> -> memref<100000x32xf32, #tpu.memory_space<hbm>>
      tpu.enqueue_indirect_dma source(%dma_start3A_122 : memref<100000x32xf32, #tpu.memory_space<hbm>>) target(%dma_start3A_116 : memref<128x32xf32, #tpu.memory_space<vmem>>) offsets(%dma_start3A_119 : memref<128xi32, #tpu.memory_space<vmem>>) semaphore(%arg11 : memref<!tpu.dma_semaphore, #tpu.memory_space<semaphore_mem>>)
      %dma_start3A_123 = arith.constant 3 : i32
      %dma_start3A_124 = arith.constant 384 : i32
      %dma_start3A_125 = arith.constant 0 : i32
      %dma_start3A_126 = tpu.memref_slice %arg8[%dma_start3A_124, %dma_start3A_125] : memref<2048x32xf32, #tpu.memory_space<vmem>> -> memref<128x32xf32, #tpu.memory_space<vmem>>
      %dma_start3A_127 = arith.constant 0 : i32
      %dma_start3A_128 = tpu.memref_slice %arg10[%dma_start3A_123, %dma_start3A_127] : memref<16x128xi32, #tpu.memory_space<vmem>> -> memref<1x128xi32, #tpu.memory_space<vmem>>
      %dma_start3A_129 = tpu.memref_squeeze %dma_start3A_128 : memref<1x128xi32, #tpu.memory_space<vmem>> -> memref<128xi32, #tpu.memory_space<vmem>>
      %dma_start3A_130 = arith.constant 0 : i32
      %dma_start3A_131 = arith.constant 0 : i32
      %dma_start3A_132 = tpu.memref_slice %arg5[%dma_start3A_130, %dma_start3A_131] : memref<100000x32xf32, #tpu.memory_space<hbm>> -> memref<100000x32xf32, #tpu.memory_space<hbm>>
      tpu.enqueue_indirect_dma source(%dma_start3A_132 : memref<100000x32xf32, #tpu.memory_space<hbm>>) target(%dma_start3A_126 : memref<128x32xf32, #tpu.memory_space<vmem>>) offsets(%dma_start3A_129 : memref<128xi32, #tpu.memory_space<vmem>>) semaphore(%arg11 : memref<!tpu.dma_semaphore, #tpu.memory_space<semaphore_mem>>)
      %dma_start3A_133 = arith.constant 4 : i32
      %dma_start3A_134 = arith.constant 512 : i32
      %dma_start3A_135 = arith.constant 0 : i32
      %dma_start3A_136 = tpu.memref_slice %arg8[%dma_start3A_134, %dma_start3A_135] : memref<2048x32xf32, #tpu.memory_space<vmem>> -> memref<128x32xf32, #tpu.memory_space<vmem>>
      %dma_start3A_137 = arith.constant 0 : i32
      %dma_start3A_138 = tpu.memref_slice %arg10[%dma_start3A_133, %dma_start3A_137] : memref<16x128xi32, #tpu.memory_space<vmem>> -> memref<1x128xi32, #tpu.memory_space<vmem>>
      %dma_start3A_139 = tpu.memref_squeeze %dma_start3A_138 : memref<1x128xi32, #tpu.memory_space<vmem>> -> memref<128xi32, #tpu.memory_space<vmem>>
      %dma_start3A_140 = arith.constant 0 : i32
      %dma_start3A_141 = arith.constant 0 : i32
      %dma_start3A_142 = tpu.memref_slice %arg5[%dma_start3A_140, %dma_start3A_141] : memref<100000x32xf32, #tpu.memory_space<hbm>> -> memref<100000x32xf32, #tpu.memory_space<hbm>>
      tpu.enqueue_indirect_dma source(%dma_start3A_142 : memref<100000x32xf32, #tpu.memory_space<hbm>>) target(%dma_start3A_136 : memref<128x32xf32, #tpu.memory_space<vmem>>) offsets(%dma_start3A_139 : memref<128xi32, #tpu.memory_space<vmem>>) semaphore(%arg11 : memref<!tpu.dma_semaphore, #tpu.memory_space<semaphore_mem>>)
      %dma_start3A_143 = arith.constant 5 : i32
      %dma_start3A_144 = arith.constant 640 : i32
      %dma_start3A_145 = arith.constant 0 : i32
      %dma_start3A_146 = tpu.memref_slice %arg8[%dma_start3A_144, %dma_start3A_145] : memref<2048x32xf32, #tpu.memory_space<vmem>> -> memref<128x32xf32, #tpu.memory_space<vmem>>
      %dma_start3A_147 = arith.constant 0 : i32
      %dma_start3A_148 = tpu.memref_slice %arg10[%dma_start3A_143, %dma_start3A_147] : memref<16x128xi32, #tpu.memory_space<vmem>> -> memref<1x128xi32, #tpu.memory_space<vmem>>
      %dma_start3A_149 = tpu.memref_squeeze %dma_start3A_148 : memref<1x128xi32, #tpu.memory_space<vmem>> -> memref<128xi32, #tpu.memory_space<vmem>>
      %dma_start3A_150 = arith.constant 0 : i32
      %dma_start3A_151 = arith.constant 0 : i32
      %dma_start3A_152 = tpu.memref_slice %arg5[%dma_start3A_150, %dma_start3A_151] : memref<100000x32xf32, #tpu.memory_space<hbm>> -> memref<100000x32xf32, #tpu.memory_space<hbm>>
      tpu.enqueue_indirect_dma source(%dma_start3A_152 : memref<100000x32xf32, #tpu.memory_space<hbm>>) target(%dma_start3A_146 : memref<128x32xf32, #tpu.memory_space<vmem>>) offsets(%dma_start3A_149 : memref<128xi32, #tpu.memory_space<vmem>>) semaphore(%arg11 : memref<!tpu.dma_semaphore, #tpu.memory_space<semaphore_mem>>)
      %dma_start3A_153 = arith.constant 6 : i32
      %dma_start3A_154 = arith.constant 768 : i32
      %dma_start3A_155 = arith.constant 0 : i32
      %dma_start3A_156 = tpu.memref_slice %arg8[%dma_start3A_154, %dma_start3A_155] : memref<2048x32xf32, #tpu.memory_space<vmem>> -> memref<128x32xf32, #tpu.memory_space<vmem>>
      %dma_start3A_157 = arith.constant 0 : i32
      %dma_start3A_158 = tpu.memref_slice %arg10[%dma_start3A_153, %dma_start3A_157] : memref<16x128xi32, #tpu.memory_space<vmem>> -> memref<1x128xi32, #tpu.memory_space<vmem>>
      %dma_start3A_159 = tpu.memref_squeeze %dma_start3A_158 : memref<1x128xi32, #tpu.memory_space<vmem>> -> memref<128xi32, #tpu.memory_space<vmem>>
      %dma_start3A_160 = arith.constant 0 : i32
      %dma_start3A_161 = arith.constant 0 : i32
      %dma_start3A_162 = tpu.memref_slice %arg5[%dma_start3A_160, %dma_start3A_161] : memref<100000x32xf32, #tpu.memory_space<hbm>> -> memref<100000x32xf32, #tpu.memory_space<hbm>>
      tpu.enqueue_indirect_dma source(%dma_start3A_162 : memref<100000x32xf32, #tpu.memory_space<hbm>>) target(%dma_start3A_156 : memref<128x32xf32, #tpu.memory_space<vmem>>) offsets(%dma_start3A_159 : memref<128xi32, #tpu.memory_space<vmem>>) semaphore(%arg11 : memref<!tpu.dma_semaphore, #tpu.memory_space<semaphore_mem>>)
      %dma_start3A_163 = arith.constant 7 : i32
      %dma_start3A_164 = arith.constant 896 : i32
      %dma_start3A_165 = arith.constant 0 : i32
      %dma_start3A_166 = tpu.memref_slice %arg8[%dma_start3A_164, %dma_start3A_165] : memref<2048x32xf32, #tpu.memory_space<vmem>> -> memref<128x32xf32, #tpu.memory_space<vmem>>
      %dma_start3A_167 = arith.constant 0 : i32
      %dma_start3A_168 = tpu.memref_slice %arg10[%dma_start3A_163, %dma_start3A_167] : memref<16x128xi32, #tpu.memory_space<vmem>> -> memref<1x128xi32, #tpu.memory_space<vmem>>
      %dma_start3A_169 = tpu.memref_squeeze %dma_start3A_168 : memref<1x128xi32, #tpu.memory_space<vmem>> -> memref<128xi32, #tpu.memory_space<vmem>>
      %dma_start3A_170 = arith.constant 0 : i32
      %dma_start3A_171 = arith.constant 0 : i32
      %dma_start3A_172 = tpu.memref_slice %arg5[%dma_start3A_170, %dma_start3A_171] : memref<100000x32xf32, #tpu.memory_space<hbm>> -> memref<100000x32xf32, #tpu.memory_space<hbm>>
      tpu.enqueue_indirect_dma source(%dma_start3A_172 : memref<100000x32xf32, #tpu.memory_space<hbm>>) target(%dma_start3A_166 : memref<128x32xf32, #tpu.memory_space<vmem>>) offsets(%dma_start3A_169 : memref<128xi32, #tpu.memory_space<vmem>>) semaphore(%arg11 : memref<!tpu.dma_semaphore, #tpu.memory_space<semaphore_mem>>)
      %dma_start3A_173 = arith.constant 8 : i32
      %dma_start3A_174 = arith.constant 1024 : i32
      %dma_start3A_175 = arith.constant 0 : i32
      %dma_start3A_176 = tpu.memref_slice %arg8[%dma_start3A_174, %dma_start3A_175] : memref<2048x32xf32, #tpu.memory_space<vmem>> -> memref<128x32xf32, #tpu.memory_space<vmem>>
      %dma_start3A_177 = arith.constant 0 : i32
      %dma_start3A_178 = tpu.memref_slice %arg10[%dma_start3A_173, %dma_start3A_177] : memref<16x128xi32, #tpu.memory_space<vmem>> -> memref<1x128xi32, #tpu.memory_space<vmem>>
      %dma_start3A_179 = tpu.memref_squeeze %dma_start3A_178 : memref<1x128xi32, #tpu.memory_space<vmem>> -> memref<128xi32, #tpu.memory_space<vmem>>
      %dma_start3A_180 = arith.constant 0 : i32
      %dma_start3A_181 = arith.constant 0 : i32
      %dma_start3A_182 = tpu.memref_slice %arg5[%dma_start3A_180, %dma_start3A_181] : memref<100000x32xf32, #tpu.memory_space<hbm>> -> memref<100000x32xf32, #tpu.memory_space<hbm>>
      tpu.enqueue_indirect_dma source(%dma_start3A_182 : memref<100000x32xf32, #tpu.memory_space<hbm>>) target(%dma_start3A_176 : memref<128x32xf32, #tpu.memory_space<vmem>>) offsets(%dma_start3A_179 : memref<128xi32, #tpu.memory_space<vmem>>) semaphore(%arg11 : memref<!tpu.dma_semaphore, #tpu.memory_space<semaphore_mem>>)
      %dma_start3A_183 = arith.constant 9 : i32
      %dma_start3A_184 = arith.constant 1152 : i32
      %dma_start3A_185 = arith.constant 0 : i32
      %dma_start3A_186 = tpu.memref_slice %arg8[%dma_start3A_184, %dma_start3A_185] : memref<2048x32xf32, #tpu.memory_space<vmem>> -> memref<128x32xf32, #tpu.memory_space<vmem>>
      %dma_start3A_187 = arith.constant 0 : i32
      %dma_start3A_188 = tpu.memref_slice %arg10[%dma_start3A_183, %dma_start3A_187] : memref<16x128xi32, #tpu.memory_space<vmem>> -> memref<1x128xi32, #tpu.memory_space<vmem>>
      %dma_start3A_189 = tpu.memref_squeeze %dma_start3A_188 : memref<1x128xi32, #tpu.memory_space<vmem>> -> memref<128xi32, #tpu.memory_space<vmem>>
      %dma_start3A_190 = arith.constant 0 : i32
      %dma_start3A_191 = arith.constant 0 : i32
      %dma_start3A_192 = tpu.memref_slice %arg5[%dma_start3A_190, %dma_start3A_191] : memref<100000x32xf32, #tpu.memory_space<hbm>> -> memref<100000x32xf32, #tpu.memory_space<hbm>>
      tpu.enqueue_indirect_dma source(%dma_start3A_192 : memref<100000x32xf32, #tpu.memory_space<hbm>>) target(%dma_start3A_186 : memref<128x32xf32, #tpu.memory_space<vmem>>) offsets(%dma_start3A_189 : memref<128xi32, #tpu.memory_space<vmem>>) semaphore(%arg11 : memref<!tpu.dma_semaphore, #tpu.memory_space<semaphore_mem>>)
      %dma_start3A_193 = arith.constant 10 : i32
      %dma_start3A_194 = arith.constant 1280 : i32
      %dma_start3A_195 = arith.constant 0 : i32
      %dma_start3A_196 = tpu.memref_slice %arg8[%dma_start3A_194, %dma_start3A_195] : memref<2048x32xf32, #tpu.memory_space<vmem>> -> memref<128x32xf32, #tpu.memory_space<vmem>>
      %dma_start3A_197 = arith.constant 0 : i32
      %dma_start3A_198 = tpu.memref_slice %arg10[%dma_start3A_193, %dma_start3A_197] : memref<16x128xi32, #tpu.memory_space<vmem>> -> memref<1x128xi32, #tpu.memory_space<vmem>>
      %dma_start3A_199 = tpu.memref_squeeze %dma_start3A_198 : memref<1x128xi32, #tpu.memory_space<vmem>> -> memref<128xi32, #tpu.memory_space<vmem>>
      %dma_start3A_200 = arith.constant 0 : i32
      %dma_start3A_201 = arith.constant 0 : i32
      %dma_start3A_202 = tpu.memref_slice %arg5[%dma_start3A_200, %dma_start3A_201] : memref<100000x32xf32, #tpu.memory_space<hbm>> -> memref<100000x32xf32, #tpu.memory_space<hbm>>
      tpu.enqueue_indirect_dma source(%dma_start3A_202 : memref<100000x32xf32, #tpu.memory_space<hbm>>) target(%dma_start3A_196 : memref<128x32xf32, #tpu.memory_space<vmem>>) offsets(%dma_start3A_199 : memref<128xi32, #tpu.memory_space<vmem>>) semaphore(%arg11 : memref<!tpu.dma_semaphore, #tpu.memory_space<semaphore_mem>>)
      %dma_start3A_203 = arith.constant 11 : i32
      %dma_start3A_204 = arith.constant 1408 : i32
      %dma_start3A_205 = arith.constant 0 : i32
      %dma_start3A_206 = tpu.memref_slice %arg8[%dma_start3A_204, %dma_start3A_205] : memref<2048x32xf32, #tpu.memory_space<vmem>> -> memref<128x32xf32, #tpu.memory_space<vmem>>
      %dma_start3A_207 = arith.constant 0 : i32
      %dma_start3A_208 = tpu.memref_slice %arg10[%dma_start3A_203, %dma_start3A_207] : memref<16x128xi32, #tpu.memory_space<vmem>> -> memref<1x128xi32, #tpu.memory_space<vmem>>
      %dma_start3A_209 = tpu.memref_squeeze %dma_start3A_208 : memref<1x128xi32, #tpu.memory_space<vmem>> -> memref<128xi32, #tpu.memory_space<vmem>>
      %dma_start3A_210 = arith.constant 0 : i32
      %dma_start3A_211 = arith.constant 0 : i32
      %dma_start3A_212 = tpu.memref_slice %arg5[%dma_start3A_210, %dma_start3A_211] : memref<100000x32xf32, #tpu.memory_space<hbm>> -> memref<100000x32xf32, #tpu.memory_space<hbm>>
      tpu.enqueue_indirect_dma source(%dma_start3A_212 : memref<100000x32xf32, #tpu.memory_space<hbm>>) target(%dma_start3A_206 : memref<128x32xf32, #tpu.memory_space<vmem>>) offsets(%dma_start3A_209 : memref<128xi32, #tpu.memory_space<vmem>>) semaphore(%arg11 : memref<!tpu.dma_semaphore, #tpu.memory_space<semaphore_mem>>)
      %dma_start3A_213 = arith.constant 12 : i32
      %dma_start3A_214 = arith.constant 1536 : i32
      %dma_start3A_215 = arith.constant 0 : i32
      %dma_start3A_216 = tpu.memref_slice %arg8[%dma_start3A_214, %dma_start3A_215] : memref<2048x32xf32, #tpu.memory_space<vmem>> -> memref<128x32xf32, #tpu.memory_space<vmem>>
      %dma_start3A_217 = arith.constant 0 : i32
      %dma_start3A_218 = tpu.memref_slice %arg10[%dma_start3A_213, %dma_start3A_217] : memref<16x128xi32, #tpu.memory_space<vmem>> -> memref<1x128xi32, #tpu.memory_space<vmem>>
      %dma_start3A_219 = tpu.memref_squeeze %dma_start3A_218 : memref<1x128xi32, #tpu.memory_space<vmem>> -> memref<128xi32, #tpu.memory_space<vmem>>
      %dma_start3A_220 = arith.constant 0 : i32
      %dma_start3A_221 = arith.constant 0 : i32
      %dma_start3A_222 = tpu.memref_slice %arg5[%dma_start3A_220, %dma_start3A_221] : memref<100000x32xf32, #tpu.memory_space<hbm>> -> memref<100000x32xf32, #tpu.memory_space<hbm>>
      tpu.enqueue_indirect_dma source(%dma_start3A_222 : memref<100000x32xf32, #tpu.memory_space<hbm>>) target(%dma_start3A_216 : memref<128x32xf32, #tpu.memory_space<vmem>>) offsets(%dma_start3A_219 : memref<128xi32, #tpu.memory_space<vmem>>) semaphore(%arg11 : memref<!tpu.dma_semaphore, #tpu.memory_space<semaphore_mem>>)
      %dma_start3A_223 = arith.constant 13 : i32
      %dma_start3A_224 = arith.constant 1664 : i32
      %dma_start3A_225 = arith.constant 0 : i32
      %dma_start3A_226 = tpu.memref_slice %arg8[%dma_start3A_224, %dma_start3A_225] : memref<2048x32xf32, #tpu.memory_space<vmem>> -> memref<128x32xf32, #tpu.memory_space<vmem>>
      %dma_start3A_227 = arith.constant 0 : i32
      %dma_start3A_228 = tpu.memref_slice %arg10[%dma_start3A_223, %dma_start3A_227] : memref<16x128xi32, #tpu.memory_space<vmem>> -> memref<1x128xi32, #tpu.memory_space<vmem>>
      %dma_start3A_229 = tpu.memref_squeeze %dma_start3A_228 : memref<1x128xi32, #tpu.memory_space<vmem>> -> memref<128xi32, #tpu.memory_space<vmem>>
      %dma_start3A_230 = arith.constant 0 : i32
      %dma_start3A_231 = arith.constant 0 : i32
      %dma_start3A_232 = tpu.memref_slice %arg5[%dma_start3A_230, %dma_start3A_231] : memref<100000x32xf32, #tpu.memory_space<hbm>> -> memref<100000x32xf32, #tpu.memory_space<hbm>>
      tpu.enqueue_indirect_dma source(%dma_start3A_232 : memref<100000x32xf32, #tpu.memory_space<hbm>>) target(%dma_start3A_226 : memref<128x32xf32, #tpu.memory_space<vmem>>) offsets(%dma_start3A_229 : memref<128xi32, #tpu.memory_space<vmem>>) semaphore(%arg11 : memref<!tpu.dma_semaphore, #tpu.memory_space<semaphore_mem>>)
      %dma_start3A_233 = arith.constant 14 : i32
      %dma_start3A_234 = arith.constant 1792 : i32
      %dma_start3A_235 = arith.constant 0 : i32
      %dma_start3A_236 = tpu.memref_slice %arg8[%dma_start3A_234, %dma_start3A_235] : memref<2048x32xf32, #tpu.memory_space<vmem>> -> memref<128x32xf32, #tpu.memory_space<vmem>>
      %dma_start3A_237 = arith.constant 0 : i32
      %dma_start3A_238 = tpu.memref_slice %arg10[%dma_start3A_233, %dma_start3A_237] : memref<16x128xi32, #tpu.memory_space<vmem>> -> memref<1x128xi32, #tpu.memory_space<vmem>>
      %dma_start3A_239 = tpu.memref_squeeze %dma_start3A_238 : memref<1x128xi32, #tpu.memory_space<vmem>> -> memref<128xi32, #tpu.memory_space<vmem>>
      %dma_start3A_240 = arith.constant 0 : i32
      %dma_start3A_241 = arith.constant 0 : i32
      %dma_start3A_242 = tpu.memref_slice %arg5[%dma_start3A_240, %dma_start3A_241] : memref<100000x32xf32, #tpu.memory_space<hbm>> -> memref<100000x32xf32, #tpu.memory_space<hbm>>
      tpu.enqueue_indirect_dma source(%dma_start3A_242 : memref<100000x32xf32, #tpu.memory_space<hbm>>) target(%dma_start3A_236 : memref<128x32xf32, #tpu.memory_space<vmem>>) offsets(%dma_start3A_239 : memref<128xi32, #tpu.memory_space<vmem>>) semaphore(%arg11 : memref<!tpu.dma_semaphore, #tpu.memory_space<semaphore_mem>>)
      %dma_start3A_243 = arith.constant 15 : i32
      %dma_start3A_244 = arith.constant 1920 : i32
      %dma_start3A_245 = arith.constant 0 : i32
      %dma_start3A_246 = tpu.memref_slice %arg8[%dma_start3A_244, %dma_start3A_245] : memref<2048x32xf32, #tpu.memory_space<vmem>> -> memref<128x32xf32, #tpu.memory_space<vmem>>
      %dma_start3A_247 = arith.constant 0 : i32
      %dma_start3A_248 = tpu.memref_slice %arg10[%dma_start3A_243, %dma_start3A_247] : memref<16x128xi32, #tpu.memory_space<vmem>> -> memref<1x128xi32, #tpu.memory_space<vmem>>
      %dma_start3A_249 = tpu.memref_squeeze %dma_start3A_248 : memref<1x128xi32, #tpu.memory_space<vmem>> -> memref<128xi32, #tpu.memory_space<vmem>>
      %dma_start3A_250 = arith.constant 0 : i32
      %dma_start3A_251 = arith.constant 0 : i32
      %dma_start3A_252 = tpu.memref_slice %arg5[%dma_start3A_250, %dma_start3A_251] : memref<100000x32xf32, #tpu.memory_space<hbm>> -> memref<100000x32xf32, #tpu.memory_space<hbm>>
      tpu.enqueue_indirect_dma source(%dma_start3A_252 : memref<100000x32xf32, #tpu.memory_space<hbm>>) target(%dma_start3A_246 : memref<128x32xf32, #tpu.memory_space<vmem>>) offsets(%dma_start3A_249 : memref<128xi32, #tpu.memory_space<vmem>>) semaphore(%arg11 : memref<!tpu.dma_semaphore, #tpu.memory_space<semaphore_mem>>)
      %dma_wait3A = arith.constant 0 : i32
      %dma_wait3A_253 = arith.constant 0 : i32
      %dma_wait3A_254 = arith.constant 0 : i32
      %dma_wait3A_255 = tpu.memref_slice %arg7[%dma_wait3A_253, %dma_wait3A_254] : memref<1024x32xf32, #tpu.memory_space<vmem>> -> memref<128x32xf32, #tpu.memory_space<vmem>>
      %dma_wait3A_256 = arith.constant 0 : i32
      %dma_wait3A_257 = tpu.memref_slice %arg9[%dma_wait3A, %dma_wait3A_256] : memref<8x128xi32, #tpu.memory_space<vmem>> -> memref<1x128xi32, #tpu.memory_space<vmem>>
      %dma_wait3A_258 = tpu.memref_squeeze %dma_wait3A_257 : memref<1x128xi32, #tpu.memory_space<vmem>> -> memref<128xi32, #tpu.memory_space<vmem>>
      %dma_wait3A_259 = arith.constant 0 : i32
      %dma_wait3A_260 = arith.constant 0 : i32
      %dma_wait3A_261 = tpu.memref_slice %arg4[%dma_wait3A_259, %dma_wait3A_260] : memref<2600000x32xf32, #tpu.memory_space<hbm>> -> memref<2600000x32xf32, #tpu.memory_space<hbm>>
      tpu.wait_indirect_dma semaphore(%arg11 : memref<!tpu.dma_semaphore, #tpu.memory_space<semaphore_mem>>) src(%dma_wait3A_261 : memref<2600000x32xf32, #tpu.memory_space<hbm>>) dst(%dma_wait3A_255 : memref<128x32xf32, #tpu.memory_space<vmem>>)
      %dma_wait3A_262 = arith.constant 1 : i32
      %dma_wait3A_263 = arith.constant 128 : i32
      %dma_wait3A_264 = arith.constant 0 : i32
      %dma_wait3A_265 = tpu.memref_slice %arg7[%dma_wait3A_263, %dma_wait3A_264] : memref<1024x32xf32, #tpu.memory_space<vmem>> -> memref<128x32xf32, #tpu.memory_space<vmem>>
      %dma_wait3A_266 = arith.constant 0 : i32
      %dma_wait3A_267 = tpu.memref_slice %arg9[%dma_wait3A_262, %dma_wait3A_266] : memref<8x128xi32, #tpu.memory_space<vmem>> -> memref<1x128xi32, #tpu.memory_space<vmem>>
      %dma_wait3A_268 = tpu.memref_squeeze %dma_wait3A_267 : memref<1x128xi32, #tpu.memory_space<vmem>> -> memref<128xi32, #tpu.memory_space<vmem>>
      %dma_wait3A_269 = arith.constant 0 : i32
      %dma_wait3A_270 = arith.constant 0 : i32
      %dma_wait3A_271 = tpu.memref_slice %arg4[%dma_wait3A_269, %dma_wait3A_270] : memref<2600000x32xf32, #tpu.memory_space<hbm>> -> memref<2600000x32xf32, #tpu.memory_space<hbm>>
      tpu.wait_indirect_dma semaphore(%arg11 : memref<!tpu.dma_semaphore, #tpu.memory_space<semaphore_mem>>) src(%dma_wait3A_271 : memref<2600000x32xf32, #tpu.memory_space<hbm>>) dst(%dma_wait3A_265 : memref<128x32xf32, #tpu.memory_space<vmem>>)
      %dma_wait3A_272 = arith.constant 2 : i32
      %dma_wait3A_273 = arith.constant 256 : i32
      %dma_wait3A_274 = arith.constant 0 : i32
      %dma_wait3A_275 = tpu.memref_slice %arg7[%dma_wait3A_273, %dma_wait3A_274] : memref<1024x32xf32, #tpu.memory_space<vmem>> -> memref<128x32xf32, #tpu.memory_space<vmem>>
      %dma_wait3A_276 = arith.constant 0 : i32
      %dma_wait3A_277 = tpu.memref_slice %arg9[%dma_wait3A_272, %dma_wait3A_276] : memref<8x128xi32, #tpu.memory_space<vmem>> -> memref<1x128xi32, #tpu.memory_space<vmem>>
      %dma_wait3A_278 = tpu.memref_squeeze %dma_wait3A_277 : memref<1x128xi32, #tpu.memory_space<vmem>> -> memref<128xi32, #tpu.memory_space<vmem>>
      %dma_wait3A_279 = arith.constant 0 : i32
      %dma_wait3A_280 = arith.constant 0 : i32
      %dma_wait3A_281 = tpu.memref_slice %arg4[%dma_wait3A_279, %dma_wait3A_280] : memref<2600000x32xf32, #tpu.memory_space<hbm>> -> memref<2600000x32xf32, #tpu.memory_space<hbm>>
      tpu.wait_indirect_dma semaphore(%arg11 : memref<!tpu.dma_semaphore, #tpu.memory_space<semaphore_mem>>) src(%dma_wait3A_281 : memref<2600000x32xf32, #tpu.memory_space<hbm>>) dst(%dma_wait3A_275 : memref<128x32xf32, #tpu.memory_space<vmem>>)
      %dma_wait3A_282 = arith.constant 3 : i32
      %dma_wait3A_283 = arith.constant 384 : i32
      %dma_wait3A_284 = arith.constant 0 : i32
      %dma_wait3A_285 = tpu.memref_slice %arg7[%dma_wait3A_283, %dma_wait3A_284] : memref<1024x32xf32, #tpu.memory_space<vmem>> -> memref<128x32xf32, #tpu.memory_space<vmem>>
      %dma_wait3A_286 = arith.constant 0 : i32
      %dma_wait3A_287 = tpu.memref_slice %arg9[%dma_wait3A_282, %dma_wait3A_286] : memref<8x128xi32, #tpu.memory_space<vmem>> -> memref<1x128xi32, #tpu.memory_space<vmem>>
      %dma_wait3A_288 = tpu.memref_squeeze %dma_wait3A_287 : memref<1x128xi32, #tpu.memory_space<vmem>> -> memref<128xi32, #tpu.memory_space<vmem>>
      %dma_wait3A_289 = arith.constant 0 : i32
      %dma_wait3A_290 = arith.constant 0 : i32
      %dma_wait3A_291 = tpu.memref_slice %arg4[%dma_wait3A_289, %dma_wait3A_290] : memref<2600000x32xf32, #tpu.memory_space<hbm>> -> memref<2600000x32xf32, #tpu.memory_space<hbm>>
      tpu.wait_indirect_dma semaphore(%arg11 : memref<!tpu.dma_semaphore, #tpu.memory_space<semaphore_mem>>) src(%dma_wait3A_291 : memref<2600000x32xf32, #tpu.memory_space<hbm>>) dst(%dma_wait3A_285 : memref<128x32xf32, #tpu.memory_space<vmem>>)
      %dma_wait3A_292 = arith.constant 4 : i32
      %dma_wait3A_293 = arith.constant 512 : i32
      %dma_wait3A_294 = arith.constant 0 : i32
      %dma_wait3A_295 = tpu.memref_slice %arg7[%dma_wait3A_293, %dma_wait3A_294] : memref<1024x32xf32, #tpu.memory_space<vmem>> -> memref<128x32xf32, #tpu.memory_space<vmem>>
      %dma_wait3A_296 = arith.constant 0 : i32
      %dma_wait3A_297 = tpu.memref_slice %arg9[%dma_wait3A_292, %dma_wait3A_296] : memref<8x128xi32, #tpu.memory_space<vmem>> -> memref<1x128xi32, #tpu.memory_space<vmem>>
      %dma_wait3A_298 = tpu.memref_squeeze %dma_wait3A_297 : memref<1x128xi32, #tpu.memory_space<vmem>> -> memref<128xi32, #tpu.memory_space<vmem>>
      %dma_wait3A_299 = arith.constant 0 : i32
      %dma_wait3A_300 = arith.constant 0 : i32
      %dma_wait3A_301 = tpu.memref_slice %arg4[%dma_wait3A_299, %dma_wait3A_300] : memref<2600000x32xf32, #tpu.memory_space<hbm>> -> memref<2600000x32xf32, #tpu.memory_space<hbm>>
      tpu.wait_indirect_dma semaphore(%arg11 : memref<!tpu.dma_semaphore, #tpu.memory_space<semaphore_mem>>) src(%dma_wait3A_301 : memref<2600000x32xf32, #tpu.memory_space<hbm>>) dst(%dma_wait3A_295 : memref<128x32xf32, #tpu.memory_space<vmem>>)
      %dma_wait3A_302 = arith.constant 5 : i32
      %dma_wait3A_303 = arith.constant 640 : i32
      %dma_wait3A_304 = arith.constant 0 : i32
      %dma_wait3A_305 = tpu.memref_slice %arg7[%dma_wait3A_303, %dma_wait3A_304] : memref<1024x32xf32, #tpu.memory_space<vmem>> -> memref<128x32xf32, #tpu.memory_space<vmem>>
      %dma_wait3A_306 = arith.constant 0 : i32
      %dma_wait3A_307 = tpu.memref_slice %arg9[%dma_wait3A_302, %dma_wait3A_306] : memref<8x128xi32, #tpu.memory_space<vmem>> -> memref<1x128xi32, #tpu.memory_space<vmem>>
      %dma_wait3A_308 = tpu.memref_squeeze %dma_wait3A_307 : memref<1x128xi32, #tpu.memory_space<vmem>> -> memref<128xi32, #tpu.memory_space<vmem>>
      %dma_wait3A_309 = arith.constant 0 : i32
      %dma_wait3A_310 = arith.constant 0 : i32
      %dma_wait3A_311 = tpu.memref_slice %arg4[%dma_wait3A_309, %dma_wait3A_310] : memref<2600000x32xf32, #tpu.memory_space<hbm>> -> memref<2600000x32xf32, #tpu.memory_space<hbm>>
      tpu.wait_indirect_dma semaphore(%arg11 : memref<!tpu.dma_semaphore, #tpu.memory_space<semaphore_mem>>) src(%dma_wait3A_311 : memref<2600000x32xf32, #tpu.memory_space<hbm>>) dst(%dma_wait3A_305 : memref<128x32xf32, #tpu.memory_space<vmem>>)
      %dma_wait3A_312 = arith.constant 6 : i32
      %dma_wait3A_313 = arith.constant 768 : i32
      %dma_wait3A_314 = arith.constant 0 : i32
      %dma_wait3A_315 = tpu.memref_slice %arg7[%dma_wait3A_313, %dma_wait3A_314] : memref<1024x32xf32, #tpu.memory_space<vmem>> -> memref<128x32xf32, #tpu.memory_space<vmem>>
      %dma_wait3A_316 = arith.constant 0 : i32
      %dma_wait3A_317 = tpu.memref_slice %arg9[%dma_wait3A_312, %dma_wait3A_316] : memref<8x128xi32, #tpu.memory_space<vmem>> -> memref<1x128xi32, #tpu.memory_space<vmem>>
      %dma_wait3A_318 = tpu.memref_squeeze %dma_wait3A_317 : memref<1x128xi32, #tpu.memory_space<vmem>> -> memref<128xi32, #tpu.memory_space<vmem>>
      %dma_wait3A_319 = arith.constant 0 : i32
      %dma_wait3A_320 = arith.constant 0 : i32
      %dma_wait3A_321 = tpu.memref_slice %arg4[%dma_wait3A_319, %dma_wait3A_320] : memref<2600000x32xf32, #tpu.memory_space<hbm>> -> memref<2600000x32xf32, #tpu.memory_space<hbm>>
      tpu.wait_indirect_dma semaphore(%arg11 : memref<!tpu.dma_semaphore, #tpu.memory_space<semaphore_mem>>) src(%dma_wait3A_321 : memref<2600000x32xf32, #tpu.memory_space<hbm>>) dst(%dma_wait3A_315 : memref<128x32xf32, #tpu.memory_space<vmem>>)
      %dma_wait3A_322 = arith.constant 7 : i32
      %dma_wait3A_323 = arith.constant 896 : i32
      %dma_wait3A_324 = arith.constant 0 : i32
      %dma_wait3A_325 = tpu.memref_slice %arg7[%dma_wait3A_323, %dma_wait3A_324] : memref<1024x32xf32, #tpu.memory_space<vmem>> -> memref<128x32xf32, #tpu.memory_space<vmem>>
      %dma_wait3A_326 = arith.constant 0 : i32
      %dma_wait3A_327 = tpu.memref_slice %arg9[%dma_wait3A_322, %dma_wait3A_326] : memref<8x128xi32, #tpu.memory_space<vmem>> -> memref<1x128xi32, #tpu.memory_space<vmem>>
      %dma_wait3A_328 = tpu.memref_squeeze %dma_wait3A_327 : memref<1x128xi32, #tpu.memory_space<vmem>> -> memref<128xi32, #tpu.memory_space<vmem>>
      %dma_wait3A_329 = arith.constant 0 : i32
      %dma_wait3A_330 = arith.constant 0 : i32
      %dma_wait3A_331 = tpu.memref_slice %arg4[%dma_wait3A_329, %dma_wait3A_330] : memref<2600000x32xf32, #tpu.memory_space<hbm>> -> memref<2600000x32xf32, #tpu.memory_space<hbm>>
      tpu.wait_indirect_dma semaphore(%arg11 : memref<!tpu.dma_semaphore, #tpu.memory_space<semaphore_mem>>) src(%dma_wait3A_331 : memref<2600000x32xf32, #tpu.memory_space<hbm>>) dst(%dma_wait3A_325 : memref<128x32xf32, #tpu.memory_space<vmem>>)
      %dma_wait3A_332 = arith.constant 0 : i32
      %dma_wait3A_333 = arith.constant 0 : i32
      %dma_wait3A_334 = arith.constant 0 : i32
      %dma_wait3A_335 = tpu.memref_slice %arg8[%dma_wait3A_333, %dma_wait3A_334] : memref<2048x32xf32, #tpu.memory_space<vmem>> -> memref<128x32xf32, #tpu.memory_space<vmem>>
      %dma_wait3A_336 = arith.constant 0 : i32
      %dma_wait3A_337 = tpu.memref_slice %arg10[%dma_wait3A_332, %dma_wait3A_336] : memref<16x128xi32, #tpu.memory_space<vmem>> -> memref<1x128xi32, #tpu.memory_space<vmem>>
      %dma_wait3A_338 = tpu.memref_squeeze %dma_wait3A_337 : memref<1x128xi32, #tpu.memory_space<vmem>> -> memref<128xi32, #tpu.memory_space<vmem>>
      %dma_wait3A_339 = arith.constant 0 : i32
      %dma_wait3A_340 = arith.constant 0 : i32
      %dma_wait3A_341 = tpu.memref_slice %arg5[%dma_wait3A_339, %dma_wait3A_340] : memref<100000x32xf32, #tpu.memory_space<hbm>> -> memref<100000x32xf32, #tpu.memory_space<hbm>>
      tpu.wait_indirect_dma semaphore(%arg11 : memref<!tpu.dma_semaphore, #tpu.memory_space<semaphore_mem>>) src(%dma_wait3A_341 : memref<100000x32xf32, #tpu.memory_space<hbm>>) dst(%dma_wait3A_335 : memref<128x32xf32, #tpu.memory_space<vmem>>)
      %dma_wait3A_342 = arith.constant 1 : i32
      %dma_wait3A_343 = arith.constant 128 : i32
      %dma_wait3A_344 = arith.constant 0 : i32
      %dma_wait3A_345 = tpu.memref_slice %arg8[%dma_wait3A_343, %dma_wait3A_344] : memref<2048x32xf32, #tpu.memory_space<vmem>> -> memref<128x32xf32, #tpu.memory_space<vmem>>
      %dma_wait3A_346 = arith.constant 0 : i32
      %dma_wait3A_347 = tpu.memref_slice %arg10[%dma_wait3A_342, %dma_wait3A_346] : memref<16x128xi32, #tpu.memory_space<vmem>> -> memref<1x128xi32, #tpu.memory_space<vmem>>
      %dma_wait3A_348 = tpu.memref_squeeze %dma_wait3A_347 : memref<1x128xi32, #tpu.memory_space<vmem>> -> memref<128xi32, #tpu.memory_space<vmem>>
      %dma_wait3A_349 = arith.constant 0 : i32
      %dma_wait3A_350 = arith.constant 0 : i32
      %dma_wait3A_351 = tpu.memref_slice %arg5[%dma_wait3A_349, %dma_wait3A_350] : memref<100000x32xf32, #tpu.memory_space<hbm>> -> memref<100000x32xf32, #tpu.memory_space<hbm>>
      tpu.wait_indirect_dma semaphore(%arg11 : memref<!tpu.dma_semaphore, #tpu.memory_space<semaphore_mem>>) src(%dma_wait3A_351 : memref<100000x32xf32, #tpu.memory_space<hbm>>) dst(%dma_wait3A_345 : memref<128x32xf32, #tpu.memory_space<vmem>>)
      %dma_wait3A_352 = arith.constant 2 : i32
      %dma_wait3A_353 = arith.constant 256 : i32
      %dma_wait3A_354 = arith.constant 0 : i32
      %dma_wait3A_355 = tpu.memref_slice %arg8[%dma_wait3A_353, %dma_wait3A_354] : memref<2048x32xf32, #tpu.memory_space<vmem>> -> memref<128x32xf32, #tpu.memory_space<vmem>>
      %dma_wait3A_356 = arith.constant 0 : i32
      %dma_wait3A_357 = tpu.memref_slice %arg10[%dma_wait3A_352, %dma_wait3A_356] : memref<16x128xi32, #tpu.memory_space<vmem>> -> memref<1x128xi32, #tpu.memory_space<vmem>>
      %dma_wait3A_358 = tpu.memref_squeeze %dma_wait3A_357 : memref<1x128xi32, #tpu.memory_space<vmem>> -> memref<128xi32, #tpu.memory_space<vmem>>
      %dma_wait3A_359 = arith.constant 0 : i32
      %dma_wait3A_360 = arith.constant 0 : i32
      %dma_wait3A_361 = tpu.memref_slice %arg5[%dma_wait3A_359, %dma_wait3A_360] : memref<100000x32xf32, #tpu.memory_space<hbm>> -> memref<100000x32xf32, #tpu.memory_space<hbm>>
      tpu.wait_indirect_dma semaphore(%arg11 : memref<!tpu.dma_semaphore, #tpu.memory_space<semaphore_mem>>) src(%dma_wait3A_361 : memref<100000x32xf32, #tpu.memory_space<hbm>>) dst(%dma_wait3A_355 : memref<128x32xf32, #tpu.memory_space<vmem>>)
      %dma_wait3A_362 = arith.constant 3 : i32
      %dma_wait3A_363 = arith.constant 384 : i32
      %dma_wait3A_364 = arith.constant 0 : i32
      %dma_wait3A_365 = tpu.memref_slice %arg8[%dma_wait3A_363, %dma_wait3A_364] : memref<2048x32xf32, #tpu.memory_space<vmem>> -> memref<128x32xf32, #tpu.memory_space<vmem>>
      %dma_wait3A_366 = arith.constant 0 : i32
      %dma_wait3A_367 = tpu.memref_slice %arg10[%dma_wait3A_362, %dma_wait3A_366] : memref<16x128xi32, #tpu.memory_space<vmem>> -> memref<1x128xi32, #tpu.memory_space<vmem>>
      %dma_wait3A_368 = tpu.memref_squeeze %dma_wait3A_367 : memref<1x128xi32, #tpu.memory_space<vmem>> -> memref<128xi32, #tpu.memory_space<vmem>>
      %dma_wait3A_369 = arith.constant 0 : i32
      %dma_wait3A_370 = arith.constant 0 : i32
      %dma_wait3A_371 = tpu.memref_slice %arg5[%dma_wait3A_369, %dma_wait3A_370] : memref<100000x32xf32, #tpu.memory_space<hbm>> -> memref<100000x32xf32, #tpu.memory_space<hbm>>
      tpu.wait_indirect_dma semaphore(%arg11 : memref<!tpu.dma_semaphore, #tpu.memory_space<semaphore_mem>>) src(%dma_wait3A_371 : memref<100000x32xf32, #tpu.memory_space<hbm>>) dst(%dma_wait3A_365 : memref<128x32xf32, #tpu.memory_space<vmem>>)
      %dma_wait3A_372 = arith.constant 4 : i32
      %dma_wait3A_373 = arith.constant 512 : i32
      %dma_wait3A_374 = arith.constant 0 : i32
      %dma_wait3A_375 = tpu.memref_slice %arg8[%dma_wait3A_373, %dma_wait3A_374] : memref<2048x32xf32, #tpu.memory_space<vmem>> -> memref<128x32xf32, #tpu.memory_space<vmem>>
      %dma_wait3A_376 = arith.constant 0 : i32
      %dma_wait3A_377 = tpu.memref_slice %arg10[%dma_wait3A_372, %dma_wait3A_376] : memref<16x128xi32, #tpu.memory_space<vmem>> -> memref<1x128xi32, #tpu.memory_space<vmem>>
      %dma_wait3A_378 = tpu.memref_squeeze %dma_wait3A_377 : memref<1x128xi32, #tpu.memory_space<vmem>> -> memref<128xi32, #tpu.memory_space<vmem>>
      %dma_wait3A_379 = arith.constant 0 : i32
      %dma_wait3A_380 = arith.constant 0 : i32
      %dma_wait3A_381 = tpu.memref_slice %arg5[%dma_wait3A_379, %dma_wait3A_380] : memref<100000x32xf32, #tpu.memory_space<hbm>> -> memref<100000x32xf32, #tpu.memory_space<hbm>>
      tpu.wait_indirect_dma semaphore(%arg11 : memref<!tpu.dma_semaphore, #tpu.memory_space<semaphore_mem>>) src(%dma_wait3A_381 : memref<100000x32xf32, #tpu.memory_space<hbm>>) dst(%dma_wait3A_375 : memref<128x32xf32, #tpu.memory_space<vmem>>)
      %dma_wait3A_382 = arith.constant 5 : i32
      %dma_wait3A_383 = arith.constant 640 : i32
      %dma_wait3A_384 = arith.constant 0 : i32
      %dma_wait3A_385 = tpu.memref_slice %arg8[%dma_wait3A_383, %dma_wait3A_384] : memref<2048x32xf32, #tpu.memory_space<vmem>> -> memref<128x32xf32, #tpu.memory_space<vmem>>
      %dma_wait3A_386 = arith.constant 0 : i32
      %dma_wait3A_387 = tpu.memref_slice %arg10[%dma_wait3A_382, %dma_wait3A_386] : memref<16x128xi32, #tpu.memory_space<vmem>> -> memref<1x128xi32, #tpu.memory_space<vmem>>
      %dma_wait3A_388 = tpu.memref_squeeze %dma_wait3A_387 : memref<1x128xi32, #tpu.memory_space<vmem>> -> memref<128xi32, #tpu.memory_space<vmem>>
      %dma_wait3A_389 = arith.constant 0 : i32
      %dma_wait3A_390 = arith.constant 0 : i32
      %dma_wait3A_391 = tpu.memref_slice %arg5[%dma_wait3A_389, %dma_wait3A_390] : memref<100000x32xf32, #tpu.memory_space<hbm>> -> memref<100000x32xf32, #tpu.memory_space<hbm>>
      tpu.wait_indirect_dma semaphore(%arg11 : memref<!tpu.dma_semaphore, #tpu.memory_space<semaphore_mem>>) src(%dma_wait3A_391 : memref<100000x32xf32, #tpu.memory_space<hbm>>) dst(%dma_wait3A_385 : memref<128x32xf32, #tpu.memory_space<vmem>>)
      %dma_wait3A_392 = arith.constant 6 : i32
      %dma_wait3A_393 = arith.constant 768 : i32
      %dma_wait3A_394 = arith.constant 0 : i32
      %dma_wait3A_395 = tpu.memref_slice %arg8[%dma_wait3A_393, %dma_wait3A_394] : memref<2048x32xf32, #tpu.memory_space<vmem>> -> memref<128x32xf32, #tpu.memory_space<vmem>>
      %dma_wait3A_396 = arith.constant 0 : i32
      %dma_wait3A_397 = tpu.memref_slice %arg10[%dma_wait3A_392, %dma_wait3A_396] : memref<16x128xi32, #tpu.memory_space<vmem>> -> memref<1x128xi32, #tpu.memory_space<vmem>>
      %dma_wait3A_398 = tpu.memref_squeeze %dma_wait3A_397 : memref<1x128xi32, #tpu.memory_space<vmem>> -> memref<128xi32, #tpu.memory_space<vmem>>
      %dma_wait3A_399 = arith.constant 0 : i32
      %dma_wait3A_400 = arith.constant 0 : i32
      %dma_wait3A_401 = tpu.memref_slice %arg5[%dma_wait3A_399, %dma_wait3A_400] : memref<100000x32xf32, #tpu.memory_space<hbm>> -> memref<100000x32xf32, #tpu.memory_space<hbm>>
      tpu.wait_indirect_dma semaphore(%arg11 : memref<!tpu.dma_semaphore, #tpu.memory_space<semaphore_mem>>) src(%dma_wait3A_401 : memref<100000x32xf32, #tpu.memory_space<hbm>>) dst(%dma_wait3A_395 : memref<128x32xf32, #tpu.memory_space<vmem>>)
      %dma_wait3A_402 = arith.constant 7 : i32
      %dma_wait3A_403 = arith.constant 896 : i32
      %dma_wait3A_404 = arith.constant 0 : i32
      %dma_wait3A_405 = tpu.memref_slice %arg8[%dma_wait3A_403, %dma_wait3A_404] : memref<2048x32xf32, #tpu.memory_space<vmem>> -> memref<128x32xf32, #tpu.memory_space<vmem>>
      %dma_wait3A_406 = arith.constant 0 : i32
      %dma_wait3A_407 = tpu.memref_slice %arg10[%dma_wait3A_402, %dma_wait3A_406] : memref<16x128xi32, #tpu.memory_space<vmem>> -> memref<1x128xi32, #tpu.memory_space<vmem>>
      %dma_wait3A_408 = tpu.memref_squeeze %dma_wait3A_407 : memref<1x128xi32, #tpu.memory_space<vmem>> -> memref<128xi32, #tpu.memory_space<vmem>>
      %dma_wait3A_409 = arith.constant 0 : i32
      %dma_wait3A_410 = arith.constant 0 : i32
      %dma_wait3A_411 = tpu.memref_slice %arg5[%dma_wait3A_409, %dma_wait3A_410] : memref<100000x32xf32, #tpu.memory_space<hbm>> -> memref<100000x32xf32, #tpu.memory_space<hbm>>
      tpu.wait_indirect_dma semaphore(%arg11 : memref<!tpu.dma_semaphore, #tpu.memory_space<semaphore_mem>>) src(%dma_wait3A_411 : memref<100000x32xf32, #tpu.memory_space<hbm>>) dst(%dma_wait3A_405 : memref<128x32xf32, #tpu.memory_space<vmem>>)
      %dma_wait3A_412 = arith.constant 8 : i32
      %dma_wait3A_413 = arith.constant 1024 : i32
      %dma_wait3A_414 = arith.constant 0 : i32
      %dma_wait3A_415 = tpu.memref_slice %arg8[%dma_wait3A_413, %dma_wait3A_414] : memref<2048x32xf32, #tpu.memory_space<vmem>> -> memref<128x32xf32, #tpu.memory_space<vmem>>
      %dma_wait3A_416 = arith.constant 0 : i32
      %dma_wait3A_417 = tpu.memref_slice %arg10[%dma_wait3A_412, %dma_wait3A_416] : memref<16x128xi32, #tpu.memory_space<vmem>> -> memref<1x128xi32, #tpu.memory_space<vmem>>
      %dma_wait3A_418 = tpu.memref_squeeze %dma_wait3A_417 : memref<1x128xi32, #tpu.memory_space<vmem>> -> memref<128xi32, #tpu.memory_space<vmem>>
      %dma_wait3A_419 = arith.constant 0 : i32
      %dma_wait3A_420 = arith.constant 0 : i32
      %dma_wait3A_421 = tpu.memref_slice %arg5[%dma_wait3A_419, %dma_wait3A_420] : memref<100000x32xf32, #tpu.memory_space<hbm>> -> memref<100000x32xf32, #tpu.memory_space<hbm>>
      tpu.wait_indirect_dma semaphore(%arg11 : memref<!tpu.dma_semaphore, #tpu.memory_space<semaphore_mem>>) src(%dma_wait3A_421 : memref<100000x32xf32, #tpu.memory_space<hbm>>) dst(%dma_wait3A_415 : memref<128x32xf32, #tpu.memory_space<vmem>>)
      %dma_wait3A_422 = arith.constant 9 : i32
      %dma_wait3A_423 = arith.constant 1152 : i32
      %dma_wait3A_424 = arith.constant 0 : i32
      %dma_wait3A_425 = tpu.memref_slice %arg8[%dma_wait3A_423, %dma_wait3A_424] : memref<2048x32xf32, #tpu.memory_space<vmem>> -> memref<128x32xf32, #tpu.memory_space<vmem>>
      %dma_wait3A_426 = arith.constant 0 : i32
      %dma_wait3A_427 = tpu.memref_slice %arg10[%dma_wait3A_422, %dma_wait3A_426] : memref<16x128xi32, #tpu.memory_space<vmem>> -> memref<1x128xi32, #tpu.memory_space<vmem>>
      %dma_wait3A_428 = tpu.memref_squeeze %dma_wait3A_427 : memref<1x128xi32, #tpu.memory_space<vmem>> -> memref<128xi32, #tpu.memory_space<vmem>>
      %dma_wait3A_429 = arith.constant 0 : i32
      %dma_wait3A_430 = arith.constant 0 : i32
      %dma_wait3A_431 = tpu.memref_slice %arg5[%dma_wait3A_429, %dma_wait3A_430] : memref<100000x32xf32, #tpu.memory_space<hbm>> -> memref<100000x32xf32, #tpu.memory_space<hbm>>
      tpu.wait_indirect_dma semaphore(%arg11 : memref<!tpu.dma_semaphore, #tpu.memory_space<semaphore_mem>>) src(%dma_wait3A_431 : memref<100000x32xf32, #tpu.memory_space<hbm>>) dst(%dma_wait3A_425 : memref<128x32xf32, #tpu.memory_space<vmem>>)
      %dma_wait3A_432 = arith.constant 10 : i32
      %dma_wait3A_433 = arith.constant 1280 : i32
      %dma_wait3A_434 = arith.constant 0 : i32
      %dma_wait3A_435 = tpu.memref_slice %arg8[%dma_wait3A_433, %dma_wait3A_434] : memref<2048x32xf32, #tpu.memory_space<vmem>> -> memref<128x32xf32, #tpu.memory_space<vmem>>
      %dma_wait3A_436 = arith.constant 0 : i32
      %dma_wait3A_437 = tpu.memref_slice %arg10[%dma_wait3A_432, %dma_wait3A_436] : memref<16x128xi32, #tpu.memory_space<vmem>> -> memref<1x128xi32, #tpu.memory_space<vmem>>
      %dma_wait3A_438 = tpu.memref_squeeze %dma_wait3A_437 : memref<1x128xi32, #tpu.memory_space<vmem>> -> memref<128xi32, #tpu.memory_space<vmem>>
      %dma_wait3A_439 = arith.constant 0 : i32
      %dma_wait3A_440 = arith.constant 0 : i32
      %dma_wait3A_441 = tpu.memref_slice %arg5[%dma_wait3A_439, %dma_wait3A_440] : memref<100000x32xf32, #tpu.memory_space<hbm>> -> memref<100000x32xf32, #tpu.memory_space<hbm>>
      tpu.wait_indirect_dma semaphore(%arg11 : memref<!tpu.dma_semaphore, #tpu.memory_space<semaphore_mem>>) src(%dma_wait3A_441 : memref<100000x32xf32, #tpu.memory_space<hbm>>) dst(%dma_wait3A_435 : memref<128x32xf32, #tpu.memory_space<vmem>>)
      %dma_wait3A_442 = arith.constant 11 : i32
      %dma_wait3A_443 = arith.constant 1408 : i32
      %dma_wait3A_444 = arith.constant 0 : i32
      %dma_wait3A_445 = tpu.memref_slice %arg8[%dma_wait3A_443, %dma_wait3A_444] : memref<2048x32xf32, #tpu.memory_space<vmem>> -> memref<128x32xf32, #tpu.memory_space<vmem>>
      %dma_wait3A_446 = arith.constant 0 : i32
      %dma_wait3A_447 = tpu.memref_slice %arg10[%dma_wait3A_442, %dma_wait3A_446] : memref<16x128xi32, #tpu.memory_space<vmem>> -> memref<1x128xi32, #tpu.memory_space<vmem>>
      %dma_wait3A_448 = tpu.memref_squeeze %dma_wait3A_447 : memref<1x128xi32, #tpu.memory_space<vmem>> -> memref<128xi32, #tpu.memory_space<vmem>>
      %dma_wait3A_449 = arith.constant 0 : i32
      %dma_wait3A_450 = arith.constant 0 : i32
      %dma_wait3A_451 = tpu.memref_slice %arg5[%dma_wait3A_449, %dma_wait3A_450] : memref<100000x32xf32, #tpu.memory_space<hbm>> -> memref<100000x32xf32, #tpu.memory_space<hbm>>
      tpu.wait_indirect_dma semaphore(%arg11 : memref<!tpu.dma_semaphore, #tpu.memory_space<semaphore_mem>>) src(%dma_wait3A_451 : memref<100000x32xf32, #tpu.memory_space<hbm>>) dst(%dma_wait3A_445 : memref<128x32xf32, #tpu.memory_space<vmem>>)
      %dma_wait3A_452 = arith.constant 12 : i32
      %dma_wait3A_453 = arith.constant 1536 : i32
      %dma_wait3A_454 = arith.constant 0 : i32
      %dma_wait3A_455 = tpu.memref_slice %arg8[%dma_wait3A_453, %dma_wait3A_454] : memref<2048x32xf32, #tpu.memory_space<vmem>> -> memref<128x32xf32, #tpu.memory_space<vmem>>
      %dma_wait3A_456 = arith.constant 0 : i32
      %dma_wait3A_457 = tpu.memref_slice %arg10[%dma_wait3A_452, %dma_wait3A_456] : memref<16x128xi32, #tpu.memory_space<vmem>> -> memref<1x128xi32, #tpu.memory_space<vmem>>
      %dma_wait3A_458 = tpu.memref_squeeze %dma_wait3A_457 : memref<1x128xi32, #tpu.memory_space<vmem>> -> memref<128xi32, #tpu.memory_space<vmem>>
      %dma_wait3A_459 = arith.constant 0 : i32
      %dma_wait3A_460 = arith.constant 0 : i32
      %dma_wait3A_461 = tpu.memref_slice %arg5[%dma_wait3A_459, %dma_wait3A_460] : memref<100000x32xf32, #tpu.memory_space<hbm>> -> memref<100000x32xf32, #tpu.memory_space<hbm>>
      tpu.wait_indirect_dma semaphore(%arg11 : memref<!tpu.dma_semaphore, #tpu.memory_space<semaphore_mem>>) src(%dma_wait3A_461 : memref<100000x32xf32, #tpu.memory_space<hbm>>) dst(%dma_wait3A_455 : memref<128x32xf32, #tpu.memory_space<vmem>>)
      %dma_wait3A_462 = arith.constant 13 : i32
      %dma_wait3A_463 = arith.constant 1664 : i32
      %dma_wait3A_464 = arith.constant 0 : i32
      %dma_wait3A_465 = tpu.memref_slice %arg8[%dma_wait3A_463, %dma_wait3A_464] : memref<2048x32xf32, #tpu.memory_space<vmem>> -> memref<128x32xf32, #tpu.memory_space<vmem>>
      %dma_wait3A_466 = arith.constant 0 : i32
      %dma_wait3A_467 = tpu.memref_slice %arg10[%dma_wait3A_462, %dma_wait3A_466] : memref<16x128xi32, #tpu.memory_space<vmem>> -> memref<1x128xi32, #tpu.memory_space<vmem>>
      %dma_wait3A_468 = tpu.memref_squeeze %dma_wait3A_467 : memref<1x128xi32, #tpu.memory_space<vmem>> -> memref<128xi32, #tpu.memory_space<vmem>>
      %dma_wait3A_469 = arith.constant 0 : i32
      %dma_wait3A_470 = arith.constant 0 : i32
      %dma_wait3A_471 = tpu.memref_slice %arg5[%dma_wait3A_469, %dma_wait3A_470] : memref<100000x32xf32, #tpu.memory_space<hbm>> -> memref<100000x32xf32, #tpu.memory_space<hbm>>
      tpu.wait_indirect_dma semaphore(%arg11 : memref<!tpu.dma_semaphore, #tpu.memory_space<semaphore_mem>>) src(%dma_wait3A_471 : memref<100000x32xf32, #tpu.memory_space<hbm>>) dst(%dma_wait3A_465 : memref<128x32xf32, #tpu.memory_space<vmem>>)
      %dma_wait3A_472 = arith.constant 14 : i32
      %dma_wait3A_473 = arith.constant 1792 : i32
      %dma_wait3A_474 = arith.constant 0 : i32
      %dma_wait3A_475 = tpu.memref_slice %arg8[%dma_wait3A_473, %dma_wait3A_474] : memref<2048x32xf32, #tpu.memory_space<vmem>> -> memref<128x32xf32, #tpu.memory_space<vmem>>
      %dma_wait3A_476 = arith.constant 0 : i32
      %dma_wait3A_477 = tpu.memref_slice %arg10[%dma_wait3A_472, %dma_wait3A_476] : memref<16x128xi32, #tpu.memory_space<vmem>> -> memref<1x128xi32, #tpu.memory_space<vmem>>
      %dma_wait3A_478 = tpu.memref_squeeze %dma_wait3A_477 : memref<1x128xi32, #tpu.memory_space<vmem>> -> memref<128xi32, #tpu.memory_space<vmem>>
      %dma_wait3A_479 = arith.constant 0 : i32
      %dma_wait3A_480 = arith.constant 0 : i32
      %dma_wait3A_481 = tpu.memref_slice %arg5[%dma_wait3A_479, %dma_wait3A_480] : memref<100000x32xf32, #tpu.memory_space<hbm>> -> memref<100000x32xf32, #tpu.memory_space<hbm>>
      tpu.wait_indirect_dma semaphore(%arg11 : memref<!tpu.dma_semaphore, #tpu.memory_space<semaphore_mem>>) src(%dma_wait3A_481 : memref<100000x32xf32, #tpu.memory_space<hbm>>) dst(%dma_wait3A_475 : memref<128x32xf32, #tpu.memory_space<vmem>>)
      %dma_wait3A_482 = arith.constant 15 : i32
      %dma_wait3A_483 = arith.constant 1920 : i32
      %dma_wait3A_484 = arith.constant 0 : i32
      %dma_wait3A_485 = tpu.memref_slice %arg8[%dma_wait3A_483, %dma_wait3A_484] : memref<2048x32xf32, #tpu.memory_space<vmem>> -> memref<128x32xf32, #tpu.memory_space<vmem>>
      %dma_wait3A_486 = arith.constant 0 : i32
      %dma_wait3A_487 = tpu.memref_slice %arg10[%dma_wait3A_482, %dma_wait3A_486] : memref<16x128xi32, #tpu.memory_space<vmem>> -> memref<1x128xi32, #tpu.memory_space<vmem>>
      %dma_wait3A_488 = tpu.memref_squeeze %dma_wait3A_487 : memref<1x128xi32, #tpu.memory_space<vmem>> -> memref<128xi32, #tpu.memory_space<vmem>>
      %dma_wait3A_489 = arith.constant 0 : i32
      %dma_wait3A_490 = arith.constant 0 : i32
      %dma_wait3A_491 = tpu.memref_slice %arg5[%dma_wait3A_489, %dma_wait3A_490] : memref<100000x32xf32, #tpu.memory_space<hbm>> -> memref<100000x32xf32, #tpu.memory_space<hbm>>
      tpu.wait_indirect_dma semaphore(%arg11 : memref<!tpu.dma_semaphore, #tpu.memory_space<semaphore_mem>>) src(%dma_wait3A_491 : memref<100000x32xf32, #tpu.memory_space<hbm>>) dst(%dma_wait3A_485 : memref<128x32xf32, #tpu.memory_space<vmem>>)
      "tpu.trace_stop"() : () -> ()
      "tpu.trace_start"() <{level = 10 : i32, message = "pool"}> : () -> ()
      %scan3A_492 = arith.constant 0 : i32
      %scan3A_493 = arith.constant 0 : i32
      %scan3A_494 = arith.constant 32 : i32
      %scan3A_495 = arith.addi %scan3A_493, %scan3A_494 : i32
      %scan3A_496 = arith.constant 1 : i32
      scf.for %scan3A_500 = %scan3A_493 to %scan3A_495 step %scan3A_496  : i32 {
        %broadcast_in_dim3A = arith.constant 0.000000e+00 : f32
        %broadcast_in_dim3A_501 = vector.broadcast %broadcast_in_dim3A : f32 to vector<16xf32>
        %broadcast_in_dim3A_502 = arith.constant 0.000000e+00 : f32
        %broadcast_in_dim3A_503 = vector.broadcast %broadcast_in_dim3A_502 : f32 to vector<16xf32>
        %mul3A_504 = arith.constant 64 : i32
        %mul3A_505 = arith.muli %scan3A_500, %mul3A_504 : i32
        %add3A_506 = arith.constant 0 : i32
        %add3A_507 = arith.addi %mul3A_505, %add3A_506 : i32
        %get3A = arith.index_cast %add3A_507 : i32 to index
        %get3A_508 = arith.constant 0 : index
        %get3A_509 = tpu.vector_load %arg8[%get3A, %get3A_508] {strides = array<i32>} : memref<2048x32xf32, #tpu.memory_space<vmem>>, vector<16xf32>,
        %add3A_510 = arith.addf %broadcast_in_dim3A_501, %get3A_509 : vector<16xf32>
        %add3A_511 = arith.constant 0 : i32
        %add3A_512 = arith.addi %mul3A_505, %add3A_511 : i32
        %get3A_513 = arith.index_cast %add3A_512 : i32 to index
        %get3A_514 = arith.constant 16 : index
        %get3A_515 = tpu.vector_load %arg8[%get3A_513, %get3A_514] {strides = array<i32>} : memref<2048x32xf32, #tpu.memory_space<vmem>>, vector<16xf32>,
        %add3A_516 = arith.addf %broadcast_in_dim3A_503, %get3A_515 : vector<16xf32>
        %add3A_517 = arith.constant 1 : i32
        %add3A_518 = arith.addi %mul3A_505, %add3A_517 : i32
        %get3A_519 = arith.index_cast %add3A_518 : i32 to index
        %get3A_520 = arith.constant 0 : index
        %get3A_521 = tpu.vector_load %arg8[%get3A_519, %get3A_520] {strides = array<i32>} : memref<2048x32xf32, #tpu.memory_space<vmem>>, vector<16xf32>,
        %add3A_522 = arith.addf %add3A_510, %get3A_521 : vector<16xf32>
        %add3A_523 = arith.constant 1 : i32
        %add3A_524 = arith.addi %mul3A_505, %add3A_523 : i32
        %get3A_525 = arith.index_cast %add3A_524 : i32 to index
        %get3A_526 = arith.constant 16 : index
        %get3A_527 = tpu.vector_load %arg8[%get3A_525, %get3A_526] {strides = array<i32>} : memref<2048x32xf32, #tpu.memory_space<vmem>>, vector<16xf32>,
        %add3A_528 = arith.addf %add3A_516, %get3A_527 : vector<16xf32>
        %add3A_529 = arith.constant 2 : i32
        %add3A_530 = arith.addi %mul3A_505, %add3A_529 : i32
        %get3A_531 = arith.index_cast %add3A_530 : i32 to index
        %get3A_532 = arith.constant 0 : index
        %get3A_533 = tpu.vector_load %arg8[%get3A_531, %get3A_532] {strides = array<i32>} : memref<2048x32xf32, #tpu.memory_space<vmem>>, vector<16xf32>,
        %add3A_534 = arith.addf %add3A_522, %get3A_533 : vector<16xf32>
        %add3A_535 = arith.constant 2 : i32
        %add3A_536 = arith.addi %mul3A_505, %add3A_535 : i32
        %get3A_537 = arith.index_cast %add3A_536 : i32 to index
        %get3A_538 = arith.constant 16 : index
        %get3A_539 = tpu.vector_load %arg8[%get3A_537, %get3A_538] {strides = array<i32>} : memref<2048x32xf32, #tpu.memory_space<vmem>>, vector<16xf32>,
        %add3A_540 = arith.addf %add3A_528, %get3A_539 : vector<16xf32>
        %add3A_541 = arith.constant 3 : i32
        %add3A_542 = arith.addi %mul3A_505, %add3A_541 : i32
        %get3A_543 = arith.index_cast %add3A_542 : i32 to index
        %get3A_544 = arith.constant 0 : index
        %get3A_545 = tpu.vector_load %arg8[%get3A_543, %get3A_544] {strides = array<i32>} : memref<2048x32xf32, #tpu.memory_space<vmem>>, vector<16xf32>,
        %add3A_546 = arith.addf %add3A_534, %get3A_545 : vector<16xf32>
        %add3A_547 = arith.constant 3 : i32
        %add3A_548 = arith.addi %mul3A_505, %add3A_547 : i32
        %get3A_549 = arith.index_cast %add3A_548 : i32 to index
        %get3A_550 = arith.constant 16 : index
        %get3A_551 = tpu.vector_load %arg8[%get3A_549, %get3A_550] {strides = array<i32>} : memref<2048x32xf32, #tpu.memory_space<vmem>>, vector<16xf32>,
        %add3A_552 = arith.addf %add3A_540, %get3A_551 : vector<16xf32>
        %add3A_553 = arith.constant 4 : i32
        %add3A_554 = arith.addi %mul3A_505, %add3A_553 : i32
        %get3A_555 = arith.index_cast %add3A_554 : i32 to index
        %get3A_556 = arith.constant 0 : index
        %get3A_557 = tpu.vector_load %arg8[%get3A_555, %get3A_556] {strides = array<i32>} : memref<2048x32xf32, #tpu.memory_space<vmem>>, vector<16xf32>,
        %add3A_558 = arith.addf %add3A_546, %get3A_557 : vector<16xf32>
        %add3A_559 = arith.constant 4 : i32
        %add3A_560 = arith.addi %mul3A_505, %add3A_559 : i32
        %get3A_561 = arith.index_cast %add3A_560 : i32 to index
        %get3A_562 = arith.constant 16 : index
        %get3A_563 = tpu.vector_load %arg8[%get3A_561, %get3A_562] {strides = array<i32>} : memref<2048x32xf32, #tpu.memory_space<vmem>>, vector<16xf32>,
        %add3A_564 = arith.addf %add3A_552, %get3A_563 : vector<16xf32>
        %add3A_565 = arith.constant 5 : i32
        %add3A_566 = arith.addi %mul3A_505, %add3A_565 : i32
        %get3A_567 = arith.index_cast %add3A_566 : i32 to index
        %get3A_568 = arith.constant 0 : index
        %get3A_569 = tpu.vector_load %arg8[%get3A_567, %get3A_568] {strides = array<i32>} : memref<2048x32xf32, #tpu.memory_space<vmem>>, vector<16xf32>,
        %add3A_570 = arith.addf %add3A_558, %get3A_569 : vector<16xf32>
        %add3A_571 = arith.constant 5 : i32
        %add3A_572 = arith.addi %mul3A_505, %add3A_571 : i32
        %get3A_573 = arith.index_cast %add3A_572 : i32 to index
        %get3A_574 = arith.constant 16 : index
        %get3A_575 = tpu.vector_load %arg8[%get3A_573, %get3A_574] {strides = array<i32>} : memref<2048x32xf32, #tpu.memory_space<vmem>>, vector<16xf32>,
        %add3A_576 = arith.addf %add3A_564, %get3A_575 : vector<16xf32>
        %add3A_577 = arith.constant 6 : i32
        %add3A_578 = arith.addi %mul3A_505, %add3A_577 : i32
        %get3A_579 = arith.index_cast %add3A_578 : i32 to index
        %get3A_580 = arith.constant 0 : index
        %get3A_581 = tpu.vector_load %arg8[%get3A_579, %get3A_580] {strides = array<i32>} : memref<2048x32xf32, #tpu.memory_space<vmem>>, vector<16xf32>,
        %add3A_582 = arith.addf %add3A_570, %get3A_581 : vector<16xf32>
        %add3A_583 = arith.constant 6 : i32
        %add3A_584 = arith.addi %mul3A_505, %add3A_583 : i32
        %get3A_585 = arith.index_cast %add3A_584 : i32 to index
        %get3A_586 = arith.constant 16 : index
        %get3A_587 = tpu.vector_load %arg8[%get3A_585, %get3A_586] {strides = array<i32>} : memref<2048x32xf32, #tpu.memory_space<vmem>>, vector<16xf32>,
        %add3A_588 = arith.addf %add3A_576, %get3A_587 : vector<16xf32>
        %add3A_589 = arith.constant 7 : i32
        %add3A_590 = arith.addi %mul3A_505, %add3A_589 : i32
        %get3A_591 = arith.index_cast %add3A_590 : i32 to index
        %get3A_592 = arith.constant 0 : index
        %get3A_593 = tpu.vector_load %arg8[%get3A_591, %get3A_592] {strides = array<i32>} : memref<2048x32xf32, #tpu.memory_space<vmem>>, vector<16xf32>,
        %add3A_594 = arith.addf %add3A_582, %get3A_593 : vector<16xf32>
        %add3A_595 = arith.constant 7 : i32
        %add3A_596 = arith.addi %mul3A_505, %add3A_595 : i32
        %get3A_597 = arith.index_cast %add3A_596 : i32 to index
        %get3A_598 = arith.constant 16 : index
        %get3A_599 = tpu.vector_load %arg8[%get3A_597, %get3A_598] {strides = array<i32>} : memref<2048x32xf32, #tpu.memory_space<vmem>>, vector<16xf32>,
        %add3A_600 = arith.addf %add3A_588, %get3A_599 : vector<16xf32>
        %add3A_601 = arith.constant 8 : i32
        %add3A_602 = arith.addi %mul3A_505, %add3A_601 : i32
        %get3A_603 = arith.index_cast %add3A_602 : i32 to index
        %get3A_604 = arith.constant 0 : index
        %get3A_605 = tpu.vector_load %arg8[%get3A_603, %get3A_604] {strides = array<i32>} : memref<2048x32xf32, #tpu.memory_space<vmem>>, vector<16xf32>,
        %add3A_606 = arith.addf %add3A_594, %get3A_605 : vector<16xf32>
        %add3A_607 = arith.constant 8 : i32
        %add3A_608 = arith.addi %mul3A_505, %add3A_607 : i32
        %get3A_609 = arith.index_cast %add3A_608 : i32 to index
        %get3A_610 = arith.constant 16 : index
        %get3A_611 = tpu.vector_load %arg8[%get3A_609, %get3A_610] {strides = array<i32>} : memref<2048x32xf32, #tpu.memory_space<vmem>>, vector<16xf32>,
        %add3A_612 = arith.addf %add3A_600, %get3A_611 : vector<16xf32>
        %add3A_613 = arith.constant 9 : i32
        %add3A_614 = arith.addi %mul3A_505, %add3A_613 : i32
        %get3A_615 = arith.index_cast %add3A_614 : i32 to index
        %get3A_616 = arith.constant 0 : index
        %get3A_617 = tpu.vector_load %arg8[%get3A_615, %get3A_616] {strides = array<i32>} : memref<2048x32xf32, #tpu.memory_space<vmem>>, vector<16xf32>,
        %add3A_618 = arith.addf %add3A_606, %get3A_617 : vector<16xf32>
        %add3A_619 = arith.constant 9 : i32
        %add3A_620 = arith.addi %mul3A_505, %add3A_619 : i32
        %get3A_621 = arith.index_cast %add3A_620 : i32 to index
        %get3A_622 = arith.constant 16 : index
        %get3A_623 = tpu.vector_load %arg8[%get3A_621, %get3A_622] {strides = array<i32>} : memref<2048x32xf32, #tpu.memory_space<vmem>>, vector<16xf32>,
        %add3A_624 = arith.addf %add3A_612, %get3A_623 : vector<16xf32>
        %add3A_625 = arith.constant 10 : i32
        %add3A_626 = arith.addi %mul3A_505, %add3A_625 : i32
        %get3A_627 = arith.index_cast %add3A_626 : i32 to index
        %get3A_628 = arith.constant 0 : index
        %get3A_629 = tpu.vector_load %arg8[%get3A_627, %get3A_628] {strides = array<i32>} : memref<2048x32xf32, #tpu.memory_space<vmem>>, vector<16xf32>,
        %add3A_630 = arith.addf %add3A_618, %get3A_629 : vector<16xf32>
        %add3A_631 = arith.constant 10 : i32
        %add3A_632 = arith.addi %mul3A_505, %add3A_631 : i32
        %get3A_633 = arith.index_cast %add3A_632 : i32 to index
        %get3A_634 = arith.constant 16 : index
        %get3A_635 = tpu.vector_load %arg8[%get3A_633, %get3A_634] {strides = array<i32>} : memref<2048x32xf32, #tpu.memory_space<vmem>>, vector<16xf32>,
        %add3A_636 = arith.addf %add3A_624, %get3A_635 : vector<16xf32>
        %add3A_637 = arith.constant 11 : i32
        %add3A_638 = arith.addi %mul3A_505, %add3A_637 : i32
        %get3A_639 = arith.index_cast %add3A_638 : i32 to index
        %get3A_640 = arith.constant 0 : index
        %get3A_641 = tpu.vector_load %arg8[%get3A_639, %get3A_640] {strides = array<i32>} : memref<2048x32xf32, #tpu.memory_space<vmem>>, vector<16xf32>,
        %add3A_642 = arith.addf %add3A_630, %get3A_641 : vector<16xf32>
        %add3A_643 = arith.constant 11 : i32
        %add3A_644 = arith.addi %mul3A_505, %add3A_643 : i32
        %get3A_645 = arith.index_cast %add3A_644 : i32 to index
        %get3A_646 = arith.constant 16 : index
        %get3A_647 = tpu.vector_load %arg8[%get3A_645, %get3A_646] {strides = array<i32>} : memref<2048x32xf32, #tpu.memory_space<vmem>>, vector<16xf32>,
        %add3A_648 = arith.addf %add3A_636, %get3A_647 : vector<16xf32>
        %add3A_649 = arith.constant 12 : i32
        %add3A_650 = arith.addi %mul3A_505, %add3A_649 : i32
        %get3A_651 = arith.index_cast %add3A_650 : i32 to index
        %get3A_652 = arith.constant 0 : index
        %get3A_653 = tpu.vector_load %arg8[%get3A_651, %get3A_652] {strides = array<i32>} : memref<2048x32xf32, #tpu.memory_space<vmem>>, vector<16xf32>,
        %add3A_654 = arith.addf %add3A_642, %get3A_653 : vector<16xf32>
        %add3A_655 = arith.constant 12 : i32
        %add3A_656 = arith.addi %mul3A_505, %add3A_655 : i32
        %get3A_657 = arith.index_cast %add3A_656 : i32 to index
        %get3A_658 = arith.constant 16 : index
        %get3A_659 = tpu.vector_load %arg8[%get3A_657, %get3A_658] {strides = array<i32>} : memref<2048x32xf32, #tpu.memory_space<vmem>>, vector<16xf32>,
        %add3A_660 = arith.addf %add3A_648, %get3A_659 : vector<16xf32>
        %add3A_661 = arith.constant 13 : i32
        %add3A_662 = arith.addi %mul3A_505, %add3A_661 : i32
        %get3A_663 = arith.index_cast %add3A_662 : i32 to index
        %get3A_664 = arith.constant 0 : index
        %get3A_665 = tpu.vector_load %arg8[%get3A_663, %get3A_664] {strides = array<i32>} : memref<2048x32xf32, #tpu.memory_space<vmem>>, vector<16xf32>,
        %add3A_666 = arith.addf %add3A_654, %get3A_665 : vector<16xf32>
        %add3A_667 = arith.constant 13 : i32
        %add3A_668 = arith.addi %mul3A_505, %add3A_667 : i32
        %get3A_669 = arith.index_cast %add3A_668 : i32 to index
        %get3A_670 = arith.constant 16 : index
        %get3A_671 = tpu.vector_load %arg8[%get3A_669, %get3A_670] {strides = array<i32>} : memref<2048x32xf32, #tpu.memory_space<vmem>>, vector<16xf32>,
        %add3A_672 = arith.addf %add3A_660, %get3A_671 : vector<16xf32>
        %add3A_673 = arith.constant 14 : i32
        %add3A_674 = arith.addi %mul3A_505, %add3A_673 : i32
        %get3A_675 = arith.index_cast %add3A_674 : i32 to index
        %get3A_676 = arith.constant 0 : index
        %get3A_677 = tpu.vector_load %arg8[%get3A_675, %get3A_676] {strides = array<i32>} : memref<2048x32xf32, #tpu.memory_space<vmem>>, vector<16xf32>,
        %add3A_678 = arith.addf %add3A_666, %get3A_677 : vector<16xf32>
        %add3A_679 = arith.constant 14 : i32
        %add3A_680 = arith.addi %mul3A_505, %add3A_679 : i32
        %get3A_681 = arith.index_cast %add3A_680 : i32 to index
        %get3A_682 = arith.constant 16 : index
        %get3A_683 = tpu.vector_load %arg8[%get3A_681, %get3A_682] {strides = array<i32>} : memref<2048x32xf32, #tpu.memory_space<vmem>>, vector<16xf32>,
        %add3A_684 = arith.addf %add3A_672, %get3A_683 : vector<16xf32>
        %add3A_685 = arith.constant 15 : i32
        %add3A_686 = arith.addi %mul3A_505, %add3A_685 : i32
        %get3A_687 = arith.index_cast %add3A_686 : i32 to index
        %get3A_688 = arith.constant 0 : index
        %get3A_689 = tpu.vector_load %arg8[%get3A_687, %get3A_688] {strides = array<i32>} : memref<2048x32xf32, #tpu.memory_space<vmem>>, vector<16xf32>,
        %add3A_690 = arith.addf %add3A_678, %get3A_689 : vector<16xf32>
        %add3A_691 = arith.constant 15 : i32
        %add3A_692 = arith.addi %mul3A_505, %add3A_691 : i32
        %get3A_693 = arith.index_cast %add3A_692 : i32 to index
        %get3A_694 = arith.constant 16 : index
        %get3A_695 = tpu.vector_load %arg8[%get3A_693, %get3A_694] {strides = array<i32>} : memref<2048x32xf32, #tpu.memory_space<vmem>>, vector<16xf32>,
        %add3A_696 = arith.addf %add3A_684, %get3A_695 : vector<16xf32>
        %add3A_697 = arith.constant 16 : i32
        %add3A_698 = arith.addi %mul3A_505, %add3A_697 : i32
        %get3A_699 = arith.index_cast %add3A_698 : i32 to index
        %get3A_700 = arith.constant 0 : index
        %get3A_701 = tpu.vector_load %arg8[%get3A_699, %get3A_700] {strides = array<i32>} : memref<2048x32xf32, #tpu.memory_space<vmem>>, vector<16xf32>,
        %add3A_702 = arith.addf %add3A_690, %get3A_701 : vector<16xf32>
        %add3A_703 = arith.constant 16 : i32
        %add3A_704 = arith.addi %mul3A_505, %add3A_703 : i32
        %get3A_705 = arith.index_cast %add3A_704 : i32 to index
        %get3A_706 = arith.constant 16 : index
        %get3A_707 = tpu.vector_load %arg8[%get3A_705, %get3A_706] {strides = array<i32>} : memref<2048x32xf32, #tpu.memory_space<vmem>>, vector<16xf32>,
        %add3A_708 = arith.addf %add3A_696, %get3A_707 : vector<16xf32>
        %add3A_709 = arith.constant 17 : i32
        %add3A_710 = arith.addi %mul3A_505, %add3A_709 : i32
        %get3A_711 = arith.index_cast %add3A_710 : i32 to index
        %get3A_712 = arith.constant 0 : index
        %get3A_713 = tpu.vector_load %arg8[%get3A_711, %get3A_712] {strides = array<i32>} : memref<2048x32xf32, #tpu.memory_space<vmem>>, vector<16xf32>,
        %add3A_714 = arith.addf %add3A_702, %get3A_713 : vector<16xf32>
        %add3A_715 = arith.constant 17 : i32
        %add3A_716 = arith.addi %mul3A_505, %add3A_715 : i32
        %get3A_717 = arith.index_cast %add3A_716 : i32 to index
        %get3A_718 = arith.constant 16 : index
        %get3A_719 = tpu.vector_load %arg8[%get3A_717, %get3A_718] {strides = array<i32>} : memref<2048x32xf32, #tpu.memory_space<vmem>>, vector<16xf32>,
        %add3A_720 = arith.addf %add3A_708, %get3A_719 : vector<16xf32>
        %add3A_721 = arith.constant 18 : i32
        %add3A_722 = arith.addi %mul3A_505, %add3A_721 : i32
        %get3A_723 = arith.index_cast %add3A_722 : i32 to index
        %get3A_724 = arith.constant 0 : index
        %get3A_725 = tpu.vector_load %arg8[%get3A_723, %get3A_724] {strides = array<i32>} : memref<2048x32xf32, #tpu.memory_space<vmem>>, vector<16xf32>,
        %add3A_726 = arith.addf %add3A_714, %get3A_725 : vector<16xf32>
        %add3A_727 = arith.constant 18 : i32
        %add3A_728 = arith.addi %mul3A_505, %add3A_727 : i32
        %get3A_729 = arith.index_cast %add3A_728 : i32 to index
        %get3A_730 = arith.constant 16 : index
        %get3A_731 = tpu.vector_load %arg8[%get3A_729, %get3A_730] {strides = array<i32>} : memref<2048x32xf32, #tpu.memory_space<vmem>>, vector<16xf32>,
        %add3A_732 = arith.addf %add3A_720, %get3A_731 : vector<16xf32>
        %add3A_733 = arith.constant 19 : i32
        %add3A_734 = arith.addi %mul3A_505, %add3A_733 : i32
        %get3A_735 = arith.index_cast %add3A_734 : i32 to index
        %get3A_736 = arith.constant 0 : index
        %get3A_737 = tpu.vector_load %arg8[%get3A_735, %get3A_736] {strides = array<i32>} : memref<2048x32xf32, #tpu.memory_space<vmem>>, vector<16xf32>,
        %add3A_738 = arith.addf %add3A_726, %get3A_737 : vector<16xf32>
        %add3A_739 = arith.constant 19 : i32
        %add3A_740 = arith.addi %mul3A_505, %add3A_739 : i32
        %get3A_741 = arith.index_cast %add3A_740 : i32 to index
        %get3A_742 = arith.constant 16 : index
        %get3A_743 = tpu.vector_load %arg8[%get3A_741, %get3A_742] {strides = array<i32>} : memref<2048x32xf32, #tpu.memory_space<vmem>>, vector<16xf32>,
        %add3A_744 = arith.addf %add3A_732, %get3A_743 : vector<16xf32>
        %add3A_745 = arith.constant 20 : i32
        %add3A_746 = arith.addi %mul3A_505, %add3A_745 : i32
        %get3A_747 = arith.index_cast %add3A_746 : i32 to index
        %get3A_748 = arith.constant 0 : index
        %get3A_749 = tpu.vector_load %arg8[%get3A_747, %get3A_748] {strides = array<i32>} : memref<2048x32xf32, #tpu.memory_space<vmem>>, vector<16xf32>,
        %add3A_750 = arith.addf %add3A_738, %get3A_749 : vector<16xf32>
        %add3A_751 = arith.constant 20 : i32
        %add3A_752 = arith.addi %mul3A_505, %add3A_751 : i32
        %get3A_753 = arith.index_cast %add3A_752 : i32 to index
        %get3A_754 = arith.constant 16 : index
        %get3A_755 = tpu.vector_load %arg8[%get3A_753, %get3A_754] {strides = array<i32>} : memref<2048x32xf32, #tpu.memory_space<vmem>>, vector<16xf32>,
        %add3A_756 = arith.addf %add3A_744, %get3A_755 : vector<16xf32>
        %add3A_757 = arith.constant 21 : i32
        %add3A_758 = arith.addi %mul3A_505, %add3A_757 : i32
        %get3A_759 = arith.index_cast %add3A_758 : i32 to index
        %get3A_760 = arith.constant 0 : index
        %get3A_761 = tpu.vector_load %arg8[%get3A_759, %get3A_760] {strides = array<i32>} : memref<2048x32xf32, #tpu.memory_space<vmem>>, vector<16xf32>,
        %add3A_762 = arith.addf %add3A_750, %get3A_761 : vector<16xf32>
        %add3A_763 = arith.constant 21 : i32
        %add3A_764 = arith.addi %mul3A_505, %add3A_763 : i32
        %get3A_765 = arith.index_cast %add3A_764 : i32 to index
        %get3A_766 = arith.constant 16 : index
        %get3A_767 = tpu.vector_load %arg8[%get3A_765, %get3A_766] {strides = array<i32>} : memref<2048x32xf32, #tpu.memory_space<vmem>>, vector<16xf32>,
        %add3A_768 = arith.addf %add3A_756, %get3A_767 : vector<16xf32>
        %add3A_769 = arith.constant 22 : i32
        %add3A_770 = arith.addi %mul3A_505, %add3A_769 : i32
        %get3A_771 = arith.index_cast %add3A_770 : i32 to index
        %get3A_772 = arith.constant 0 : index
        %get3A_773 = tpu.vector_load %arg8[%get3A_771, %get3A_772] {strides = array<i32>} : memref<2048x32xf32, #tpu.memory_space<vmem>>, vector<16xf32>,
        %add3A_774 = arith.addf %add3A_762, %get3A_773 : vector<16xf32>
        %add3A_775 = arith.constant 22 : i32
        %add3A_776 = arith.addi %mul3A_505, %add3A_775 : i32
        %get3A_777 = arith.index_cast %add3A_776 : i32 to index
        %get3A_778 = arith.constant 16 : index
        %get3A_779 = tpu.vector_load %arg8[%get3A_777, %get3A_778] {strides = array<i32>} : memref<2048x32xf32, #tpu.memory_space<vmem>>, vector<16xf32>,
        %add3A_780 = arith.addf %add3A_768, %get3A_779 : vector<16xf32>
        %add3A_781 = arith.constant 23 : i32
        %add3A_782 = arith.addi %mul3A_505, %add3A_781 : i32
        %get3A_783 = arith.index_cast %add3A_782 : i32 to index
        %get3A_784 = arith.constant 0 : index
        %get3A_785 = tpu.vector_load %arg8[%get3A_783, %get3A_784] {strides = array<i32>} : memref<2048x32xf32, #tpu.memory_space<vmem>>, vector<16xf32>,
        %add3A_786 = arith.addf %add3A_774, %get3A_785 : vector<16xf32>
        %add3A_787 = arith.constant 23 : i32
        %add3A_788 = arith.addi %mul3A_505, %add3A_787 : i32
        %get3A_789 = arith.index_cast %add3A_788 : i32 to index
        %get3A_790 = arith.constant 16 : index
        %get3A_791 = tpu.vector_load %arg8[%get3A_789, %get3A_790] {strides = array<i32>} : memref<2048x32xf32, #tpu.memory_space<vmem>>, vector<16xf32>,
        %add3A_792 = arith.addf %add3A_780, %get3A_791 : vector<16xf32>
        %add3A_793 = arith.constant 24 : i32
        %add3A_794 = arith.addi %mul3A_505, %add3A_793 : i32
        %get3A_795 = arith.index_cast %add3A_794 : i32 to index
        %get3A_796 = arith.constant 0 : index
        %get3A_797 = tpu.vector_load %arg8[%get3A_795, %get3A_796] {strides = array<i32>} : memref<2048x32xf32, #tpu.memory_space<vmem>>, vector<16xf32>,
        %add3A_798 = arith.addf %add3A_786, %get3A_797 : vector<16xf32>
        %add3A_799 = arith.constant 24 : i32
        %add3A_800 = arith.addi %mul3A_505, %add3A_799 : i32
        %get3A_801 = arith.index_cast %add3A_800 : i32 to index
        %get3A_802 = arith.constant 16 : index
        %get3A_803 = tpu.vector_load %arg8[%get3A_801, %get3A_802] {strides = array<i32>} : memref<2048x32xf32, #tpu.memory_space<vmem>>, vector<16xf32>,
        %add3A_804 = arith.addf %add3A_792, %get3A_803 : vector<16xf32>
        %add3A_805 = arith.constant 25 : i32
        %add3A_806 = arith.addi %mul3A_505, %add3A_805 : i32
        %get3A_807 = arith.index_cast %add3A_806 : i32 to index
        %get3A_808 = arith.constant 0 : index
        %get3A_809 = tpu.vector_load %arg8[%get3A_807, %get3A_808] {strides = array<i32>} : memref<2048x32xf32, #tpu.memory_space<vmem>>, vector<16xf32>,
        %add3A_810 = arith.addf %add3A_798, %get3A_809 : vector<16xf32>
        %add3A_811 = arith.constant 25 : i32
        %add3A_812 = arith.addi %mul3A_505, %add3A_811 : i32
        %get3A_813 = arith.index_cast %add3A_812 : i32 to index
        %get3A_814 = arith.constant 16 : index
        %get3A_815 = tpu.vector_load %arg8[%get3A_813, %get3A_814] {strides = array<i32>} : memref<2048x32xf32, #tpu.memory_space<vmem>>, vector<16xf32>,
        %add3A_816 = arith.addf %add3A_804, %get3A_815 : vector<16xf32>
        %add3A_817 = arith.constant 26 : i32
        %add3A_818 = arith.addi %mul3A_505, %add3A_817 : i32
        %get3A_819 = arith.index_cast %add3A_818 : i32 to index
        %get3A_820 = arith.constant 0 : index
        %get3A_821 = tpu.vector_load %arg8[%get3A_819, %get3A_820] {strides = array<i32>} : memref<2048x32xf32, #tpu.memory_space<vmem>>, vector<16xf32>,
        %add3A_822 = arith.addf %add3A_810, %get3A_821 : vector<16xf32>
        %add3A_823 = arith.constant 26 : i32
        %add3A_824 = arith.addi %mul3A_505, %add3A_823 : i32
        %get3A_825 = arith.index_cast %add3A_824 : i32 to index
        %get3A_826 = arith.constant 16 : index
        %get3A_827 = tpu.vector_load %arg8[%get3A_825, %get3A_826] {strides = array<i32>} : memref<2048x32xf32, #tpu.memory_space<vmem>>, vector<16xf32>,
        %add3A_828 = arith.addf %add3A_816, %get3A_827 : vector<16xf32>
        %add3A_829 = arith.constant 27 : i32
        %add3A_830 = arith.addi %mul3A_505, %add3A_829 : i32
        %get3A_831 = arith.index_cast %add3A_830 : i32 to index
        %get3A_832 = arith.constant 0 : index
        %get3A_833 = tpu.vector_load %arg8[%get3A_831, %get3A_832] {strides = array<i32>} : memref<2048x32xf32, #tpu.memory_space<vmem>>, vector<16xf32>,
        %add3A_834 = arith.addf %add3A_822, %get3A_833 : vector<16xf32>
        %add3A_835 = arith.constant 27 : i32
        %add3A_836 = arith.addi %mul3A_505, %add3A_835 : i32
        %get3A_837 = arith.index_cast %add3A_836 : i32 to index
        %get3A_838 = arith.constant 16 : index
        %get3A_839 = tpu.vector_load %arg8[%get3A_837, %get3A_838] {strides = array<i32>} : memref<2048x32xf32, #tpu.memory_space<vmem>>, vector<16xf32>,
        %add3A_840 = arith.addf %add3A_828, %get3A_839 : vector<16xf32>
        %add3A_841 = arith.constant 28 : i32
        %add3A_842 = arith.addi %mul3A_505, %add3A_841 : i32
        %get3A_843 = arith.index_cast %add3A_842 : i32 to index
        %get3A_844 = arith.constant 0 : index
        %get3A_845 = tpu.vector_load %arg8[%get3A_843, %get3A_844] {strides = array<i32>} : memref<2048x32xf32, #tpu.memory_space<vmem>>, vector<16xf32>,
        %add3A_846 = arith.addf %add3A_834, %get3A_845 : vector<16xf32>
        %add3A_847 = arith.constant 28 : i32
        %add3A_848 = arith.addi %mul3A_505, %add3A_847 : i32
        %get3A_849 = arith.index_cast %add3A_848 : i32 to index
        %get3A_850 = arith.constant 16 : index
        %get3A_851 = tpu.vector_load %arg8[%get3A_849, %get3A_850] {strides = array<i32>} : memref<2048x32xf32, #tpu.memory_space<vmem>>, vector<16xf32>,
        %add3A_852 = arith.addf %add3A_840, %get3A_851 : vector<16xf32>
        %add3A_853 = arith.constant 29 : i32
        %add3A_854 = arith.addi %mul3A_505, %add3A_853 : i32
        %get3A_855 = arith.index_cast %add3A_854 : i32 to index
        %get3A_856 = arith.constant 0 : index
        %get3A_857 = tpu.vector_load %arg8[%get3A_855, %get3A_856] {strides = array<i32>} : memref<2048x32xf32, #tpu.memory_space<vmem>>, vector<16xf32>,
        %add3A_858 = arith.addf %add3A_846, %get3A_857 : vector<16xf32>
        %add3A_859 = arith.constant 29 : i32
        %add3A_860 = arith.addi %mul3A_505, %add3A_859 : i32
        %get3A_861 = arith.index_cast %add3A_860 : i32 to index
        %get3A_862 = arith.constant 16 : index
        %get3A_863 = tpu.vector_load %arg8[%get3A_861, %get3A_862] {strides = array<i32>} : memref<2048x32xf32, #tpu.memory_space<vmem>>, vector<16xf32>,
        %add3A_864 = arith.addf %add3A_852, %get3A_863 : vector<16xf32>
        %add3A_865 = arith.constant 30 : i32
        %add3A_866 = arith.addi %mul3A_505, %add3A_865 : i32
        %get3A_867 = arith.index_cast %add3A_866 : i32 to index
        %get3A_868 = arith.constant 0 : index
        %get3A_869 = tpu.vector_load %arg8[%get3A_867, %get3A_868] {strides = array<i32>} : memref<2048x32xf32, #tpu.memory_space<vmem>>, vector<16xf32>,
        %add3A_870 = arith.addf %add3A_858, %get3A_869 : vector<16xf32>
        %add3A_871 = arith.constant 30 : i32
        %add3A_872 = arith.addi %mul3A_505, %add3A_871 : i32
        %get3A_873 = arith.index_cast %add3A_872 : i32 to index
        %get3A_874 = arith.constant 16 : index
        %get3A_875 = tpu.vector_load %arg8[%get3A_873, %get3A_874] {strides = array<i32>} : memref<2048x32xf32, #tpu.memory_space<vmem>>, vector<16xf32>,
        %add3A_876 = arith.addf %add3A_864, %get3A_875 : vector<16xf32>
        %add3A_877 = arith.constant 31 : i32
        %add3A_878 = arith.addi %mul3A_505, %add3A_877 : i32
        %get3A_879 = arith.index_cast %add3A_878 : i32 to index
        %get3A_880 = arith.constant 0 : index
        %get3A_881 = tpu.vector_load %arg8[%get3A_879, %get3A_880] {strides = array<i32>} : memref<2048x32xf32, #tpu.memory_space<vmem>>, vector<16xf32>,
        %add3A_882 = arith.addf %add3A_870, %get3A_881 : vector<16xf32>
        %add3A_883 = arith.constant 31 : i32
        %add3A_884 = arith.addi %mul3A_505, %add3A_883 : i32
        %get3A_885 = arith.index_cast %add3A_884 : i32 to index
        %get3A_886 = arith.constant 16 : index
        %get3A_887 = tpu.vector_load %arg8[%get3A_885, %get3A_886] {strides = array<i32>} : memref<2048x32xf32, #tpu.memory_space<vmem>>, vector<16xf32>,
        %add3A_888 = arith.addf %add3A_876, %get3A_887 : vector<16xf32>
        %add3A_889 = arith.constant 32 : i32
        %add3A_890 = arith.addi %mul3A_505, %add3A_889 : i32
        %get3A_891 = arith.index_cast %add3A_890 : i32 to index
        %get3A_892 = arith.constant 0 : index
        %get3A_893 = tpu.vector_load %arg8[%get3A_891, %get3A_892] {strides = array<i32>} : memref<2048x32xf32, #tpu.memory_space<vmem>>, vector<16xf32>,
        %add3A_894 = arith.addf %add3A_882, %get3A_893 : vector<16xf32>
        %add3A_895 = arith.constant 32 : i32
        %add3A_896 = arith.addi %mul3A_505, %add3A_895 : i32
        %get3A_897 = arith.index_cast %add3A_896 : i32 to index
        %get3A_898 = arith.constant 16 : index
        %get3A_899 = tpu.vector_load %arg8[%get3A_897, %get3A_898] {strides = array<i32>} : memref<2048x32xf32, #tpu.memory_space<vmem>>, vector<16xf32>,
        %add3A_900 = arith.addf %add3A_888, %get3A_899 : vector<16xf32>
        %add3A_901 = arith.constant 33 : i32
        %add3A_902 = arith.addi %mul3A_505, %add3A_901 : i32
        %get3A_903 = arith.index_cast %add3A_902 : i32 to index
        %get3A_904 = arith.constant 0 : index
        %get3A_905 = tpu.vector_load %arg8[%get3A_903, %get3A_904] {strides = array<i32>} : memref<2048x32xf32, #tpu.memory_space<vmem>>, vector<16xf32>,
        %add3A_906 = arith.addf %add3A_894, %get3A_905 : vector<16xf32>
        %add3A_907 = arith.constant 33 : i32
        %add3A_908 = arith.addi %mul3A_505, %add3A_907 : i32
        %get3A_909 = arith.index_cast %add3A_908 : i32 to index
        %get3A_910 = arith.constant 16 : index
        %get3A_911 = tpu.vector_load %arg8[%get3A_909, %get3A_910] {strides = array<i32>} : memref<2048x32xf32, #tpu.memory_space<vmem>>, vector<16xf32>,
        %add3A_912 = arith.addf %add3A_900, %get3A_911 : vector<16xf32>
        %add3A_913 = arith.constant 34 : i32
        %add3A_914 = arith.addi %mul3A_505, %add3A_913 : i32
        %get3A_915 = arith.index_cast %add3A_914 : i32 to index
        %get3A_916 = arith.constant 0 : index
        %get3A_917 = tpu.vector_load %arg8[%get3A_915, %get3A_916] {strides = array<i32>} : memref<2048x32xf32, #tpu.memory_space<vmem>>, vector<16xf32>,
        %add3A_918 = arith.addf %add3A_906, %get3A_917 : vector<16xf32>
        %add3A_919 = arith.constant 34 : i32
        %add3A_920 = arith.addi %mul3A_505, %add3A_919 : i32
        %get3A_921 = arith.index_cast %add3A_920 : i32 to index
        %get3A_922 = arith.constant 16 : index
        %get3A_923 = tpu.vector_load %arg8[%get3A_921, %get3A_922] {strides = array<i32>} : memref<2048x32xf32, #tpu.memory_space<vmem>>, vector<16xf32>,
        %add3A_924 = arith.addf %add3A_912, %get3A_923 : vector<16xf32>
        %add3A_925 = arith.constant 35 : i32
        %add3A_926 = arith.addi %mul3A_505, %add3A_925 : i32
        %get3A_927 = arith.index_cast %add3A_926 : i32 to index
        %get3A_928 = arith.constant 0 : index
        %get3A_929 = tpu.vector_load %arg8[%get3A_927, %get3A_928] {strides = array<i32>} : memref<2048x32xf32, #tpu.memory_space<vmem>>, vector<16xf32>,
        %add3A_930 = arith.addf %add3A_918, %get3A_929 : vector<16xf32>
        %add3A_931 = arith.constant 35 : i32
        %add3A_932 = arith.addi %mul3A_505, %add3A_931 : i32
        %get3A_933 = arith.index_cast %add3A_932 : i32 to index
        %get3A_934 = arith.constant 16 : index
        %get3A_935 = tpu.vector_load %arg8[%get3A_933, %get3A_934] {strides = array<i32>} : memref<2048x32xf32, #tpu.memory_space<vmem>>, vector<16xf32>,
        %add3A_936 = arith.addf %add3A_924, %get3A_935 : vector<16xf32>
        %add3A_937 = arith.constant 36 : i32
        %add3A_938 = arith.addi %mul3A_505, %add3A_937 : i32
        %get3A_939 = arith.index_cast %add3A_938 : i32 to index
        %get3A_940 = arith.constant 0 : index
        %get3A_941 = tpu.vector_load %arg8[%get3A_939, %get3A_940] {strides = array<i32>} : memref<2048x32xf32, #tpu.memory_space<vmem>>, vector<16xf32>,
        %add3A_942 = arith.addf %add3A_930, %get3A_941 : vector<16xf32>
        %add3A_943 = arith.constant 36 : i32
        %add3A_944 = arith.addi %mul3A_505, %add3A_943 : i32
        %get3A_945 = arith.index_cast %add3A_944 : i32 to index
        %get3A_946 = arith.constant 16 : index
        %get3A_947 = tpu.vector_load %arg8[%get3A_945, %get3A_946] {strides = array<i32>} : memref<2048x32xf32, #tpu.memory_space<vmem>>, vector<16xf32>,
        %add3A_948 = arith.addf %add3A_936, %get3A_947 : vector<16xf32>
        %add3A_949 = arith.constant 37 : i32
        %add3A_950 = arith.addi %mul3A_505, %add3A_949 : i32
        %get3A_951 = arith.index_cast %add3A_950 : i32 to index
        %get3A_952 = arith.constant 0 : index
        %get3A_953 = tpu.vector_load %arg8[%get3A_951, %get3A_952] {strides = array<i32>} : memref<2048x32xf32, #tpu.memory_space<vmem>>, vector<16xf32>,
        %add3A_954 = arith.addf %add3A_942, %get3A_953 : vector<16xf32>
        %add3A_955 = arith.constant 37 : i32
        %add3A_956 = arith.addi %mul3A_505, %add3A_955 : i32
        %get3A_957 = arith.index_cast %add3A_956 : i32 to index
        %get3A_958 = arith.constant 16 : index
        %get3A_959 = tpu.vector_load %arg8[%get3A_957, %get3A_958] {strides = array<i32>} : memref<2048x32xf32, #tpu.memory_space<vmem>>, vector<16xf32>,
        %add3A_960 = arith.addf %add3A_948, %get3A_959 : vector<16xf32>
        %add3A_961 = arith.constant 38 : i32
        %add3A_962 = arith.addi %mul3A_505, %add3A_961 : i32
        %get3A_963 = arith.index_cast %add3A_962 : i32 to index
        %get3A_964 = arith.constant 0 : index
        %get3A_965 = tpu.vector_load %arg8[%get3A_963, %get3A_964] {strides = array<i32>} : memref<2048x32xf32, #tpu.memory_space<vmem>>, vector<16xf32>,
        %add3A_966 = arith.addf %add3A_954, %get3A_965 : vector<16xf32>
        %add3A_967 = arith.constant 38 : i32
        %add3A_968 = arith.addi %mul3A_505, %add3A_967 : i32
        %get3A_969 = arith.index_cast %add3A_968 : i32 to index
        %get3A_970 = arith.constant 16 : index
        %get3A_971 = tpu.vector_load %arg8[%get3A_969, %get3A_970] {strides = array<i32>} : memref<2048x32xf32, #tpu.memory_space<vmem>>, vector<16xf32>,
        %add3A_972 = arith.addf %add3A_960, %get3A_971 : vector<16xf32>
        %add3A_973 = arith.constant 39 : i32
        %add3A_974 = arith.addi %mul3A_505, %add3A_973 : i32
        %get3A_975 = arith.index_cast %add3A_974 : i32 to index
        %get3A_976 = arith.constant 0 : index
        %get3A_977 = tpu.vector_load %arg8[%get3A_975, %get3A_976] {strides = array<i32>} : memref<2048x32xf32, #tpu.memory_space<vmem>>, vector<16xf32>,
        %add3A_978 = arith.addf %add3A_966, %get3A_977 : vector<16xf32>
        %add3A_979 = arith.constant 39 : i32
        %add3A_980 = arith.addi %mul3A_505, %add3A_979 : i32
        %get3A_981 = arith.index_cast %add3A_980 : i32 to index
        %get3A_982 = arith.constant 16 : index
        %get3A_983 = tpu.vector_load %arg8[%get3A_981, %get3A_982] {strides = array<i32>} : memref<2048x32xf32, #tpu.memory_space<vmem>>, vector<16xf32>,
        %add3A_984 = arith.addf %add3A_972, %get3A_983 : vector<16xf32>
        %add3A_985 = arith.constant 40 : i32
        %add3A_986 = arith.addi %mul3A_505, %add3A_985 : i32
        %get3A_987 = arith.index_cast %add3A_986 : i32 to index
        %get3A_988 = arith.constant 0 : index
        %get3A_989 = tpu.vector_load %arg8[%get3A_987, %get3A_988] {strides = array<i32>} : memref<2048x32xf32, #tpu.memory_space<vmem>>, vector<16xf32>,
        %add3A_990 = arith.addf %add3A_978, %get3A_989 : vector<16xf32>
        %add3A_991 = arith.constant 40 : i32
        %add3A_992 = arith.addi %mul3A_505, %add3A_991 : i32
        %get3A_993 = arith.index_cast %add3A_992 : i32 to index
        %get3A_994 = arith.constant 16 : index
        %get3A_995 = tpu.vector_load %arg8[%get3A_993, %get3A_994] {strides = array<i32>} : memref<2048x32xf32, #tpu.memory_space<vmem>>, vector<16xf32>,
        %add3A_996 = arith.addf %add3A_984, %get3A_995 : vector<16xf32>
        %add3A_997 = arith.constant 41 : i32
        %add3A_998 = arith.addi %mul3A_505, %add3A_997 : i32
        %get3A_999 = arith.index_cast %add3A_998 : i32 to index
        %get3A_1000 = arith.constant 0 : index
        %get3A_1001 = tpu.vector_load %arg8[%get3A_999, %get3A_1000] {strides = array<i32>} : memref<2048x32xf32, #tpu.memory_space<vmem>>, vector<16xf32>,
        %add3A_1002 = arith.addf %add3A_990, %get3A_1001 : vector<16xf32>
        %add3A_1003 = arith.constant 41 : i32
        %add3A_1004 = arith.addi %mul3A_505, %add3A_1003 : i32
        %get3A_1005 = arith.index_cast %add3A_1004 : i32 to index
        %get3A_1006 = arith.constant 16 : index
        %get3A_1007 = tpu.vector_load %arg8[%get3A_1005, %get3A_1006] {strides = array<i32>} : memref<2048x32xf32, #tpu.memory_space<vmem>>, vector<16xf32>,
        %add3A_1008 = arith.addf %add3A_996, %get3A_1007 : vector<16xf32>
        %add3A_1009 = arith.constant 42 : i32
        %add3A_1010 = arith.addi %mul3A_505, %add3A_1009 : i32
        %get3A_1011 = arith.index_cast %add3A_1010 : i32 to index
        %get3A_1012 = arith.constant 0 : index
        %get3A_1013 = tpu.vector_load %arg8[%get3A_1011, %get3A_1012] {strides = array<i32>} : memref<2048x32xf32, #tpu.memory_space<vmem>>, vector<16xf32>,
        %add3A_1014 = arith.addf %add3A_1002, %get3A_1013 : vector<16xf32>
        %add3A_1015 = arith.constant 42 : i32
        %add3A_1016 = arith.addi %mul3A_505, %add3A_1015 : i32
        %get3A_1017 = arith.index_cast %add3A_1016 : i32 to index
        %get3A_1018 = arith.constant 16 : index
        %get3A_1019 = tpu.vector_load %arg8[%get3A_1017, %get3A_1018] {strides = array<i32>} : memref<2048x32xf32, #tpu.memory_space<vmem>>, vector<16xf32>,
        %add3A_1020 = arith.addf %add3A_1008, %get3A_1019 : vector<16xf32>
        %add3A_1021 = arith.constant 43 : i32
        %add3A_1022 = arith.addi %mul3A_505, %add3A_1021 : i32
        %get3A_1023 = arith.index_cast %add3A_1022 : i32 to index
        %get3A_1024 = arith.constant 0 : index
        %get3A_1025 = tpu.vector_load %arg8[%get3A_1023, %get3A_1024] {strides = array<i32>} : memref<2048x32xf32, #tpu.memory_space<vmem>>, vector<16xf32>,
        %add3A_1026 = arith.addf %add3A_1014, %get3A_1025 : vector<16xf32>
        %add3A_1027 = arith.constant 43 : i32
        %add3A_1028 = arith.addi %mul3A_505, %add3A_1027 : i32
        %get3A_1029 = arith.index_cast %add3A_1028 : i32 to index
        %get3A_1030 = arith.constant 16 : index
        %get3A_1031 = tpu.vector_load %arg8[%get3A_1029, %get3A_1030] {strides = array<i32>} : memref<2048x32xf32, #tpu.memory_space<vmem>>, vector<16xf32>,
        %add3A_1032 = arith.addf %add3A_1020, %get3A_1031 : vector<16xf32>
        %add3A_1033 = arith.constant 44 : i32
        %add3A_1034 = arith.addi %mul3A_505, %add3A_1033 : i32
        %get3A_1035 = arith.index_cast %add3A_1034 : i32 to index
        %get3A_1036 = arith.constant 0 : index
        %get3A_1037 = tpu.vector_load %arg8[%get3A_1035, %get3A_1036] {strides = array<i32>} : memref<2048x32xf32, #tpu.memory_space<vmem>>, vector<16xf32>,
        %add3A_1038 = arith.addf %add3A_1026, %get3A_1037 : vector<16xf32>
        %add3A_1039 = arith.constant 44 : i32
        %add3A_1040 = arith.addi %mul3A_505, %add3A_1039 : i32
        %get3A_1041 = arith.index_cast %add3A_1040 : i32 to index
        %get3A_1042 = arith.constant 16 : index
        %get3A_1043 = tpu.vector_load %arg8[%get3A_1041, %get3A_1042] {strides = array<i32>} : memref<2048x32xf32, #tpu.memory_space<vmem>>, vector<16xf32>,
        %add3A_1044 = arith.addf %add3A_1032, %get3A_1043 : vector<16xf32>
        %add3A_1045 = arith.constant 45 : i32
        %add3A_1046 = arith.addi %mul3A_505, %add3A_1045 : i32
        %get3A_1047 = arith.index_cast %add3A_1046 : i32 to index
        %get3A_1048 = arith.constant 0 : index
        %get3A_1049 = tpu.vector_load %arg8[%get3A_1047, %get3A_1048] {strides = array<i32>} : memref<2048x32xf32, #tpu.memory_space<vmem>>, vector<16xf32>,
        %add3A_1050 = arith.addf %add3A_1038, %get3A_1049 : vector<16xf32>
        %add3A_1051 = arith.constant 45 : i32
        %add3A_1052 = arith.addi %mul3A_505, %add3A_1051 : i32
        %get3A_1053 = arith.index_cast %add3A_1052 : i32 to index
        %get3A_1054 = arith.constant 16 : index
        %get3A_1055 = tpu.vector_load %arg8[%get3A_1053, %get3A_1054] {strides = array<i32>} : memref<2048x32xf32, #tpu.memory_space<vmem>>, vector<16xf32>,
        %add3A_1056 = arith.addf %add3A_1044, %get3A_1055 : vector<16xf32>
        %add3A_1057 = arith.constant 46 : i32
        %add3A_1058 = arith.addi %mul3A_505, %add3A_1057 : i32
        %get3A_1059 = arith.index_cast %add3A_1058 : i32 to index
        %get3A_1060 = arith.constant 0 : index
        %get3A_1061 = tpu.vector_load %arg8[%get3A_1059, %get3A_1060] {strides = array<i32>} : memref<2048x32xf32, #tpu.memory_space<vmem>>, vector<16xf32>,
        %add3A_1062 = arith.addf %add3A_1050, %get3A_1061 : vector<16xf32>
        %add3A_1063 = arith.constant 46 : i32
        %add3A_1064 = arith.addi %mul3A_505, %add3A_1063 : i32
        %get3A_1065 = arith.index_cast %add3A_1064 : i32 to index
        %get3A_1066 = arith.constant 16 : index
        %get3A_1067 = tpu.vector_load %arg8[%get3A_1065, %get3A_1066] {strides = array<i32>} : memref<2048x32xf32, #tpu.memory_space<vmem>>, vector<16xf32>,
        %add3A_1068 = arith.addf %add3A_1056, %get3A_1067 : vector<16xf32>
        %add3A_1069 = arith.constant 47 : i32
        %add3A_1070 = arith.addi %mul3A_505, %add3A_1069 : i32
        %get3A_1071 = arith.index_cast %add3A_1070 : i32 to index
        %get3A_1072 = arith.constant 0 : index
        %get3A_1073 = tpu.vector_load %arg8[%get3A_1071, %get3A_1072] {strides = array<i32>} : memref<2048x32xf32, #tpu.memory_space<vmem>>, vector<16xf32>,
        %add3A_1074 = arith.addf %add3A_1062, %get3A_1073 : vector<16xf32>
        %add3A_1075 = arith.constant 47 : i32
        %add3A_1076 = arith.addi %mul3A_505, %add3A_1075 : i32
        %get3A_1077 = arith.index_cast %add3A_1076 : i32 to index
        %get3A_1078 = arith.constant 16 : index
        %get3A_1079 = tpu.vector_load %arg8[%get3A_1077, %get3A_1078] {strides = array<i32>} : memref<2048x32xf32, #tpu.memory_space<vmem>>, vector<16xf32>,
        %add3A_1080 = arith.addf %add3A_1068, %get3A_1079 : vector<16xf32>
        %add3A_1081 = arith.constant 48 : i32
        %add3A_1082 = arith.addi %mul3A_505, %add3A_1081 : i32
        %get3A_1083 = arith.index_cast %add3A_1082 : i32 to index
        %get3A_1084 = arith.constant 0 : index
        %get3A_1085 = tpu.vector_load %arg8[%get3A_1083, %get3A_1084] {strides = array<i32>} : memref<2048x32xf32, #tpu.memory_space<vmem>>, vector<16xf32>,
        %add3A_1086 = arith.addf %add3A_1074, %get3A_1085 : vector<16xf32>
        %add3A_1087 = arith.constant 48 : i32
        %add3A_1088 = arith.addi %mul3A_505, %add3A_1087 : i32
        %get3A_1089 = arith.index_cast %add3A_1088 : i32 to index
        %get3A_1090 = arith.constant 16 : index
        %get3A_1091 = tpu.vector_load %arg8[%get3A_1089, %get3A_1090] {strides = array<i32>} : memref<2048x32xf32, #tpu.memory_space<vmem>>, vector<16xf32>,
        %add3A_1092 = arith.addf %add3A_1080, %get3A_1091 : vector<16xf32>
        %add3A_1093 = arith.constant 49 : i32
        %add3A_1094 = arith.addi %mul3A_505, %add3A_1093 : i32
        %get3A_1095 = arith.index_cast %add3A_1094 : i32 to index
        %get3A_1096 = arith.constant 0 : index
        %get3A_1097 = tpu.vector_load %arg8[%get3A_1095, %get3A_1096] {strides = array<i32>} : memref<2048x32xf32, #tpu.memory_space<vmem>>, vector<16xf32>,
        %add3A_1098 = arith.addf %add3A_1086, %get3A_1097 : vector<16xf32>
        %add3A_1099 = arith.constant 49 : i32
        %add3A_1100 = arith.addi %mul3A_505, %add3A_1099 : i32
        %get3A_1101 = arith.index_cast %add3A_1100 : i32 to index
        %get3A_1102 = arith.constant 16 : index
        %get3A_1103 = tpu.vector_load %arg8[%get3A_1101, %get3A_1102] {strides = array<i32>} : memref<2048x32xf32, #tpu.memory_space<vmem>>, vector<16xf32>,
        %add3A_1104 = arith.addf %add3A_1092, %get3A_1103 : vector<16xf32>
        %add3A_1105 = arith.constant 50 : i32
        %add3A_1106 = arith.addi %mul3A_505, %add3A_1105 : i32
        %get3A_1107 = arith.index_cast %add3A_1106 : i32 to index
        %get3A_1108 = arith.constant 0 : index
        %get3A_1109 = tpu.vector_load %arg8[%get3A_1107, %get3A_1108] {strides = array<i32>} : memref<2048x32xf32, #tpu.memory_space<vmem>>, vector<16xf32>,
        %add3A_1110 = arith.addf %add3A_1098, %get3A_1109 : vector<16xf32>
        %add3A_1111 = arith.constant 50 : i32
        %add3A_1112 = arith.addi %mul3A_505, %add3A_1111 : i32
        %get3A_1113 = arith.index_cast %add3A_1112 : i32 to index
        %get3A_1114 = arith.constant 16 : index
        %get3A_1115 = tpu.vector_load %arg8[%get3A_1113, %get3A_1114] {strides = array<i32>} : memref<2048x32xf32, #tpu.memory_space<vmem>>, vector<16xf32>,
        %add3A_1116 = arith.addf %add3A_1104, %get3A_1115 : vector<16xf32>
        %add3A_1117 = arith.constant 51 : i32
        %add3A_1118 = arith.addi %mul3A_505, %add3A_1117 : i32
        %get3A_1119 = arith.index_cast %add3A_1118 : i32 to index
        %get3A_1120 = arith.constant 0 : index
        %get3A_1121 = tpu.vector_load %arg8[%get3A_1119, %get3A_1120] {strides = array<i32>} : memref<2048x32xf32, #tpu.memory_space<vmem>>, vector<16xf32>,
        %add3A_1122 = arith.addf %add3A_1110, %get3A_1121 : vector<16xf32>
        %add3A_1123 = arith.constant 51 : i32
        %add3A_1124 = arith.addi %mul3A_505, %add3A_1123 : i32
        %get3A_1125 = arith.index_cast %add3A_1124 : i32 to index
        %get3A_1126 = arith.constant 16 : index
        %get3A_1127 = tpu.vector_load %arg8[%get3A_1125, %get3A_1126] {strides = array<i32>} : memref<2048x32xf32, #tpu.memory_space<vmem>>, vector<16xf32>,
        %add3A_1128 = arith.addf %add3A_1116, %get3A_1127 : vector<16xf32>
        %add3A_1129 = arith.constant 52 : i32
        %add3A_1130 = arith.addi %mul3A_505, %add3A_1129 : i32
        %get3A_1131 = arith.index_cast %add3A_1130 : i32 to index
        %get3A_1132 = arith.constant 0 : index
        %get3A_1133 = tpu.vector_load %arg8[%get3A_1131, %get3A_1132] {strides = array<i32>} : memref<2048x32xf32, #tpu.memory_space<vmem>>, vector<16xf32>,
        %add3A_1134 = arith.addf %add3A_1122, %get3A_1133 : vector<16xf32>
        %add3A_1135 = arith.constant 52 : i32
        %add3A_1136 = arith.addi %mul3A_505, %add3A_1135 : i32
        %get3A_1137 = arith.index_cast %add3A_1136 : i32 to index
        %get3A_1138 = arith.constant 16 : index
        %get3A_1139 = tpu.vector_load %arg8[%get3A_1137, %get3A_1138] {strides = array<i32>} : memref<2048x32xf32, #tpu.memory_space<vmem>>, vector<16xf32>,
        %add3A_1140 = arith.addf %add3A_1128, %get3A_1139 : vector<16xf32>
        %add3A_1141 = arith.constant 53 : i32
        %add3A_1142 = arith.addi %mul3A_505, %add3A_1141 : i32
        %get3A_1143 = arith.index_cast %add3A_1142 : i32 to index
        %get3A_1144 = arith.constant 0 : index
        %get3A_1145 = tpu.vector_load %arg8[%get3A_1143, %get3A_1144] {strides = array<i32>} : memref<2048x32xf32, #tpu.memory_space<vmem>>, vector<16xf32>,
        %add3A_1146 = arith.addf %add3A_1134, %get3A_1145 : vector<16xf32>
        %add3A_1147 = arith.constant 53 : i32
        %add3A_1148 = arith.addi %mul3A_505, %add3A_1147 : i32
        %get3A_1149 = arith.index_cast %add3A_1148 : i32 to index
        %get3A_1150 = arith.constant 16 : index
        %get3A_1151 = tpu.vector_load %arg8[%get3A_1149, %get3A_1150] {strides = array<i32>} : memref<2048x32xf32, #tpu.memory_space<vmem>>, vector<16xf32>,
        %add3A_1152 = arith.addf %add3A_1140, %get3A_1151 : vector<16xf32>
        %add3A_1153 = arith.constant 54 : i32
        %add3A_1154 = arith.addi %mul3A_505, %add3A_1153 : i32
        %get3A_1155 = arith.index_cast %add3A_1154 : i32 to index
        %get3A_1156 = arith.constant 0 : index
        %get3A_1157 = tpu.vector_load %arg8[%get3A_1155, %get3A_1156] {strides = array<i32>} : memref<2048x32xf32, #tpu.memory_space<vmem>>, vector<16xf32>,
        %add3A_1158 = arith.addf %add3A_1146, %get3A_1157 : vector<16xf32>
        %add3A_1159 = arith.constant 54 : i32
        %add3A_1160 = arith.addi %mul3A_505, %add3A_1159 : i32
        %get3A_1161 = arith.index_cast %add3A_1160 : i32 to index
        %get3A_1162 = arith.constant 16 : index
        %get3A_1163 = tpu.vector_load %arg8[%get3A_1161, %get3A_1162] {strides = array<i32>} : memref<2048x32xf32, #tpu.memory_space<vmem>>, vector<16xf32>,
        %add3A_1164 = arith.addf %add3A_1152, %get3A_1163 : vector<16xf32>
        %add3A_1165 = arith.constant 55 : i32
        %add3A_1166 = arith.addi %mul3A_505, %add3A_1165 : i32
        %get3A_1167 = arith.index_cast %add3A_1166 : i32 to index
        %get3A_1168 = arith.constant 0 : index
        %get3A_1169 = tpu.vector_load %arg8[%get3A_1167, %get3A_1168] {strides = array<i32>} : memref<2048x32xf32, #tpu.memory_space<vmem>>, vector<16xf32>,
        %add3A_1170 = arith.addf %add3A_1158, %get3A_1169 : vector<16xf32>
        %add3A_1171 = arith.constant 55 : i32
        %add3A_1172 = arith.addi %mul3A_505, %add3A_1171 : i32
        %get3A_1173 = arith.index_cast %add3A_1172 : i32 to index
        %get3A_1174 = arith.constant 16 : index
        %get3A_1175 = tpu.vector_load %arg8[%get3A_1173, %get3A_1174] {strides = array<i32>} : memref<2048x32xf32, #tpu.memory_space<vmem>>, vector<16xf32>,
        %add3A_1176 = arith.addf %add3A_1164, %get3A_1175 : vector<16xf32>
        %add3A_1177 = arith.constant 56 : i32
        %add3A_1178 = arith.addi %mul3A_505, %add3A_1177 : i32
        %get3A_1179 = arith.index_cast %add3A_1178 : i32 to index
        %get3A_1180 = arith.constant 0 : index
        %get3A_1181 = tpu.vector_load %arg8[%get3A_1179, %get3A_1180] {strides = array<i32>} : memref<2048x32xf32, #tpu.memory_space<vmem>>, vector<16xf32>,
        %add3A_1182 = arith.addf %add3A_1170, %get3A_1181 : vector<16xf32>
        %add3A_1183 = arith.constant 56 : i32
        %add3A_1184 = arith.addi %mul3A_505, %add3A_1183 : i32
        %get3A_1185 = arith.index_cast %add3A_1184 : i32 to index
        %get3A_1186 = arith.constant 16 : index
        %get3A_1187 = tpu.vector_load %arg8[%get3A_1185, %get3A_1186] {strides = array<i32>} : memref<2048x32xf32, #tpu.memory_space<vmem>>, vector<16xf32>,
        %add3A_1188 = arith.addf %add3A_1176, %get3A_1187 : vector<16xf32>
        %add3A_1189 = arith.constant 57 : i32
        %add3A_1190 = arith.addi %mul3A_505, %add3A_1189 : i32
        %get3A_1191 = arith.index_cast %add3A_1190 : i32 to index
        %get3A_1192 = arith.constant 0 : index
        %get3A_1193 = tpu.vector_load %arg8[%get3A_1191, %get3A_1192] {strides = array<i32>} : memref<2048x32xf32, #tpu.memory_space<vmem>>, vector<16xf32>,
        %add3A_1194 = arith.addf %add3A_1182, %get3A_1193 : vector<16xf32>
        %add3A_1195 = arith.constant 57 : i32
        %add3A_1196 = arith.addi %mul3A_505, %add3A_1195 : i32
        %get3A_1197 = arith.index_cast %add3A_1196 : i32 to index
        %get3A_1198 = arith.constant 16 : index
        %get3A_1199 = tpu.vector_load %arg8[%get3A_1197, %get3A_1198] {strides = array<i32>} : memref<2048x32xf32, #tpu.memory_space<vmem>>, vector<16xf32>,
        %add3A_1200 = arith.addf %add3A_1188, %get3A_1199 : vector<16xf32>
        %add3A_1201 = arith.constant 58 : i32
        %add3A_1202 = arith.addi %mul3A_505, %add3A_1201 : i32
        %get3A_1203 = arith.index_cast %add3A_1202 : i32 to index
        %get3A_1204 = arith.constant 0 : index
        %get3A_1205 = tpu.vector_load %arg8[%get3A_1203, %get3A_1204] {strides = array<i32>} : memref<2048x32xf32, #tpu.memory_space<vmem>>, vector<16xf32>,
        %add3A_1206 = arith.addf %add3A_1194, %get3A_1205 : vector<16xf32>
        %add3A_1207 = arith.constant 58 : i32
        %add3A_1208 = arith.addi %mul3A_505, %add3A_1207 : i32
        %get3A_1209 = arith.index_cast %add3A_1208 : i32 to index
        %get3A_1210 = arith.constant 16 : index
        %get3A_1211 = tpu.vector_load %arg8[%get3A_1209, %get3A_1210] {strides = array<i32>} : memref<2048x32xf32, #tpu.memory_space<vmem>>, vector<16xf32>,
        %add3A_1212 = arith.addf %add3A_1200, %get3A_1211 : vector<16xf32>
        %add3A_1213 = arith.constant 59 : i32
        %add3A_1214 = arith.addi %mul3A_505, %add3A_1213 : i32
        %get3A_1215 = arith.index_cast %add3A_1214 : i32 to index
        %get3A_1216 = arith.constant 0 : index
        %get3A_1217 = tpu.vector_load %arg8[%get3A_1215, %get3A_1216] {strides = array<i32>} : memref<2048x32xf32, #tpu.memory_space<vmem>>, vector<16xf32>,
        %add3A_1218 = arith.addf %add3A_1206, %get3A_1217 : vector<16xf32>
        %add3A_1219 = arith.constant 59 : i32
        %add3A_1220 = arith.addi %mul3A_505, %add3A_1219 : i32
        %get3A_1221 = arith.index_cast %add3A_1220 : i32 to index
        %get3A_1222 = arith.constant 16 : index
        %get3A_1223 = tpu.vector_load %arg8[%get3A_1221, %get3A_1222] {strides = array<i32>} : memref<2048x32xf32, #tpu.memory_space<vmem>>, vector<16xf32>,
        %add3A_1224 = arith.addf %add3A_1212, %get3A_1223 : vector<16xf32>
        %add3A_1225 = arith.constant 60 : i32
        %add3A_1226 = arith.addi %mul3A_505, %add3A_1225 : i32
        %get3A_1227 = arith.index_cast %add3A_1226 : i32 to index
        %get3A_1228 = arith.constant 0 : index
        %get3A_1229 = tpu.vector_load %arg8[%get3A_1227, %get3A_1228] {strides = array<i32>} : memref<2048x32xf32, #tpu.memory_space<vmem>>, vector<16xf32>,
        %add3A_1230 = arith.addf %add3A_1218, %get3A_1229 : vector<16xf32>
        %add3A_1231 = arith.constant 60 : i32
        %add3A_1232 = arith.addi %mul3A_505, %add3A_1231 : i32
        %get3A_1233 = arith.index_cast %add3A_1232 : i32 to index
        %get3A_1234 = arith.constant 16 : index
        %get3A_1235 = tpu.vector_load %arg8[%get3A_1233, %get3A_1234] {strides = array<i32>} : memref<2048x32xf32, #tpu.memory_space<vmem>>, vector<16xf32>,
        %add3A_1236 = arith.addf %add3A_1224, %get3A_1235 : vector<16xf32>
        %add3A_1237 = arith.constant 61 : i32
        %add3A_1238 = arith.addi %mul3A_505, %add3A_1237 : i32
        %get3A_1239 = arith.index_cast %add3A_1238 : i32 to index
        %get3A_1240 = arith.constant 0 : index
        %get3A_1241 = tpu.vector_load %arg8[%get3A_1239, %get3A_1240] {strides = array<i32>} : memref<2048x32xf32, #tpu.memory_space<vmem>>, vector<16xf32>,
        %add3A_1242 = arith.addf %add3A_1230, %get3A_1241 : vector<16xf32>
        %add3A_1243 = arith.constant 61 : i32
        %add3A_1244 = arith.addi %mul3A_505, %add3A_1243 : i32
        %get3A_1245 = arith.index_cast %add3A_1244 : i32 to index
        %get3A_1246 = arith.constant 16 : index
        %get3A_1247 = tpu.vector_load %arg8[%get3A_1245, %get3A_1246] {strides = array<i32>} : memref<2048x32xf32, #tpu.memory_space<vmem>>, vector<16xf32>,
        %add3A_1248 = arith.addf %add3A_1236, %get3A_1247 : vector<16xf32>
        %add3A_1249 = arith.constant 62 : i32
        %add3A_1250 = arith.addi %mul3A_505, %add3A_1249 : i32
        %get3A_1251 = arith.index_cast %add3A_1250 : i32 to index
        %get3A_1252 = arith.constant 0 : index
        %get3A_1253 = tpu.vector_load %arg8[%get3A_1251, %get3A_1252] {strides = array<i32>} : memref<2048x32xf32, #tpu.memory_space<vmem>>, vector<16xf32>,
        %add3A_1254 = arith.addf %add3A_1242, %get3A_1253 : vector<16xf32>
        %add3A_1255 = arith.constant 62 : i32
        %add3A_1256 = arith.addi %mul3A_505, %add3A_1255 : i32
        %get3A_1257 = arith.index_cast %add3A_1256 : i32 to index
        %get3A_1258 = arith.constant 16 : index
        %get3A_1259 = tpu.vector_load %arg8[%get3A_1257, %get3A_1258] {strides = array<i32>} : memref<2048x32xf32, #tpu.memory_space<vmem>>, vector<16xf32>,
        %add3A_1260 = arith.addf %add3A_1248, %get3A_1259 : vector<16xf32>
        %add3A_1261 = arith.constant 63 : i32
        %add3A_1262 = arith.addi %mul3A_505, %add3A_1261 : i32
        %get3A_1263 = arith.index_cast %add3A_1262 : i32 to index
        %get3A_1264 = arith.constant 0 : index
        %get3A_1265 = tpu.vector_load %arg8[%get3A_1263, %get3A_1264] {strides = array<i32>} : memref<2048x32xf32, #tpu.memory_space<vmem>>, vector<16xf32>,
        %add3A_1266 = arith.addf %add3A_1254, %get3A_1265 : vector<16xf32>
        %add3A_1267 = arith.constant 63 : i32
        %add3A_1268 = arith.addi %mul3A_505, %add3A_1267 : i32
        %get3A_1269 = arith.index_cast %add3A_1268 : i32 to index
        %get3A_1270 = arith.constant 16 : index
        %get3A_1271 = tpu.vector_load %arg8[%get3A_1269, %get3A_1270] {strides = array<i32>} : memref<2048x32xf32, #tpu.memory_space<vmem>>, vector<16xf32>,
        %add3A_1272 = arith.addf %add3A_1260, %get3A_1271 : vector<16xf32>
        %broadcast_in_dim3A_1273 = arith.constant 0 : i32
        %broadcast_in_dim3A_1274 = vector.broadcast %broadcast_in_dim3A_1273 : i32 to vector<16xi32>
        %jit3A = arith.constant 2 : i32
        %div3A = arith.divsi %scan3A_500, %jit3A : i32
        %sign3A = arith.constant 0 : i32
        %sign3A_1275 = arith.cmpi sgt, %scan3A_500, %sign3A : i32
        %sign3A_1276 = arith.extui %sign3A_1275 : i1 to i32
        %sign3A_1277 = arith.constant 0 : i32
        %sign3A_1278 = arith.cmpi slt, %scan3A_500, %sign3A_1277 : i32
        %sign3A_1279 = arith.extui %sign3A_1278 : i1 to i32
        %sign3A_1280 = arith.subi %sign3A_1276, %sign3A_1279 : i32
        %sign3A_1281 = arith.constant 0 : i32
        %sign3A_1282 = arith.cmpi sgt, %jit3A, %sign3A_1281 : i32
        %sign3A_1283 = arith.extui %sign3A_1282 : i1 to i32
        %sign3A_1284 = arith.constant 0 : i32
        %sign3A_1285 = arith.cmpi slt, %jit3A, %sign3A_1284 : i32
        %sign3A_1286 = arith.extui %sign3A_1285 : i1 to i32
        %sign3A_1287 = arith.subi %sign3A_1283, %sign3A_1286 : i32
        %ne3A = arith.cmpi ne, %sign3A_1280, %sign3A_1287 : i32
        %rem3A = arith.remsi %scan3A_500, %jit3A : i32
        %ne3A_1288 = arith.constant 0 : i32
        %ne3A_1289 = arith.cmpi ne, %rem3A, %ne3A_1288 : i32
        %and3A = arith.andi %ne3A, %ne3A_1289 : i1
        %sub3A = arith.constant 1 : i32
        %sub3A_1290 = arith.subi %div3A, %sub3A : i32
        %select_n3A = arith.select %and3A, %sub3A_1290, %div3A : i32
        %jit3A_1291 = arith.constant 2 : i32
        %eq3A = arith.constant 0 : i32
        %eq3A_1292 = arith.cmpi eq, %jit3A_1291, %eq3A : i32
        %jit3A_1293 = arith.constant 1 : i32
        %select_n3A_1294 = arith.select %eq3A_1292, %jit3A_1293, %jit3A_1291 : i32
        %rem3A_1295 = arith.remsi %scan3A_500, %select_n3A_1294 : i32
        %ne3A_1296 = arith.constant 0 : i32
        %ne3A_1297 = arith.cmpi ne, %rem3A_1295, %ne3A_1296 : i32
        %lt3A = arith.constant 0 : i32
        %lt3A_1298 = arith.cmpi slt, %rem3A_1295, %lt3A : i32
        %lt3A_1299 = arith.constant 0 : i32
        %lt3A_1300 = arith.cmpi slt, %select_n3A_1294, %lt3A_1299 : i32
        %ne3A_1301 = arith.xori %lt3A_1298, %lt3A_1300 : i1
        %and3A_1302 = arith.andi %ne3A_1301, %ne3A_1297 : i1
        %add3A_1303 = arith.addi %rem3A_1295, %select_n3A_1294 : i32
        %select_n3A_1304 = arith.select %and3A_1302, %add3A_1303, %rem3A_1295 : i32
        %mul3A_1305 = arith.constant 64 : i32
        %mul3A_1306 = arith.muli %select_n3A_1304, %mul3A_1305 : i32
        %add3A_1307 = arith.constant 0 : i32
        %add3A_1308 = arith.addi %mul3A_1306, %add3A_1307 : i32
        %get3A_1309 = arith.index_cast %select_n3A : i32 to index
        %get3A_1310 = arith.index_cast %add3A_1308 : i32 to index
        %get3A_1311 = tpu.vector_load %arg10[%get3A_1309, %get3A_1310] {strides = array<i32>} : memref<16x128xi32, #tpu.memory_space<vmem>>, vector<16xi32>,
        %abs3A = math.absi %get3A_1311 : vector<16xi32>
        %min3A = arith.constant 1 : i32
        %min3A_1312 = vector.broadcast %min3A : i32 to vector<16xi32>
        %min3A_1313 = arith.minsi %abs3A, %min3A_1312 : vector<16xi32>
        %add3A_1314 = arith.addi %broadcast_in_dim3A_1274, %min3A_1313 : vector<16xi32>
        %add3A_1315 = arith.constant 16 : i32
        %add3A_1316 = arith.addi %mul3A_1306, %add3A_1315 : i32
        %get3A_1317 = arith.index_cast %select_n3A : i32 to index
        %get3A_1318 = arith.index_cast %add3A_1316 : i32 to index
        %get3A_1319 = tpu.vector_load %arg10[%get3A_1317, %get3A_1318] {strides = array<i32>} : memref<16x128xi32, #tpu.memory_space<vmem>>, vector<16xi32>,
        %abs3A_1320 = math.absi %get3A_1319 : vector<16xi32>
        %min3A_1321 = arith.constant 1 : i32
        %min3A_1322 = vector.broadcast %min3A_1321 : i32 to vector<16xi32>
        %min3A_1323 = arith.minsi %abs3A_1320, %min3A_1322 : vector<16xi32>
        %add3A_1324 = arith.addi %add3A_1314, %min3A_1323 : vector<16xi32>
        %add3A_1325 = arith.constant 32 : i32
        %add3A_1326 = arith.addi %mul3A_1306, %add3A_1325 : i32
        %get3A_1327 = arith.index_cast %select_n3A : i32 to index
        %get3A_1328 = arith.index_cast %add3A_1326 : i32 to index
        %get3A_1329 = tpu.vector_load %arg10[%get3A_1327, %get3A_1328] {strides = array<i32>} : memref<16x128xi32, #tpu.memory_space<vmem>>, vector<16xi32>,
        %abs3A_1330 = math.absi %get3A_1329 : vector<16xi32>
        %min3A_1331 = arith.constant 1 : i32
        %min3A_1332 = vector.broadcast %min3A_1331 : i32 to vector<16xi32>
        %min3A_1333 = arith.minsi %abs3A_1330, %min3A_1332 : vector<16xi32>
        %add3A_1334 = arith.addi %add3A_1324, %min3A_1333 : vector<16xi32>
        %add3A_1335 = arith.constant 48 : i32
        %add3A_1336 = arith.addi %mul3A_1306, %add3A_1335 : i32
        %get3A_1337 = arith.index_cast %select_n3A : i32 to index
        %get3A_1338 = arith.index_cast %add3A_1336 : i32 to index
        %get3A_1339 = tpu.vector_load %arg10[%get3A_1337, %get3A_1338] {strides = array<i32>} : memref<16x128xi32, #tpu.memory_space<vmem>>, vector<16xi32>,
        %abs3A_1340 = math.absi %get3A_1339 : vector<16xi32>
        %min3A_1341 = arith.constant 1 : i32
        %min3A_1342 = vector.broadcast %min3A_1341 : i32 to vector<16xi32>
        %min3A_1343 = arith.minsi %abs3A_1340, %min3A_1342 : vector<16xi32>
        %add3A_1344 = arith.addi %add3A_1334, %min3A_1343 : vector<16xi32>
        %reduce_sum3A = arith.constant true
        %reduce_sum3A_1345 = vector.broadcast %reduce_sum3A : i1 to vector<16xi1>
        %reduce_sum3A_1346 = tpu.scan <sum>, %add3A_1344 masked %reduce_sum3A_1345 : vector<16xi32>, vector<16xi1> -> vector<16xi32>
        %reduce_sum3A_1347 = vector.extract %reduce_sum3A_1346[15] : i32 from vector<16xi32>
        %convert_element_type3A = arith.sitofp %reduce_sum3A_1347 : i32 to f32
        %add3A_1348 = arith.constant 1.000000e-16 : f32
        %add3A_1349 = arith.addf %convert_element_type3A, %add3A_1348 : f32
        %mul3A_1350 = arith.constant 27 : i32
        %mul3A_1351 = arith.muli %scan3A_500, %mul3A_1350 : i32
        %add3A_1352 = arith.constant 26 : i32
        %add3A_1353 = arith.addi %mul3A_1351, %add3A_1352 : i32
        %div3A_1354 = vector.broadcast %add3A_1349 : f32 to vector<16xf32>
        %div3A_1355 = arith.divf %add3A_1266, %div3A_1354 : vector<16xf32>
        %swap3A = arith.index_cast %add3A_1353 : i32 to index
        %swap3A_1356 = arith.constant 0 : index
        %swap3A_1357 = tpu.vector_load %arg7[%swap3A, %swap3A_1356] {strides = array<i32>} : memref<1024x32xf32, #tpu.memory_space<vmem>>, vector<16xf32>,
        tpu.vector_store %arg7[%swap3A, %swap3A_1356], %div3A_1355 {strides = array<i32>} : memref<1024x32xf32, #tpu.memory_space<vmem>>, vector<16xf32>,
        %div3A_1358 = vector.broadcast %add3A_1349 : f32 to vector<16xf32>
        %div3A_1359 = arith.divf %add3A_1272, %div3A_1358 : vector<16xf32>
        %swap3A_1360 = arith.index_cast %add3A_1353 : i32 to index
        %swap3A_1361 = arith.constant 16 : index
        %swap3A_1362 = tpu.vector_load %arg7[%swap3A_1360, %swap3A_1361] {strides = array<i32>} : memref<1024x32xf32, #tpu.memory_space<vmem>>, vector<16xf32>,
        tpu.vector_store %arg7[%swap3A_1360, %swap3A_1361], %div3A_1359 {strides = array<i32>} : memref<1024x32xf32, #tpu.memory_space<vmem>>, vector<16xf32>,
      }
      %scan3A_497 = arith.constant 32 : i32
      "tpu.trace_stop"() : () -> ()
      "tpu.trace_start"() <{level = 10 : i32, message = "store"}> : () -> ()
      %mul3A_498 = arith.constant 864 : i32
      %mul3A_499 = arith.muli %add3A_9, %mul3A_498 : i32
      "tpu.region"() ({
        %run_scoped3A = tpu.sem_alloc : memref<!tpu.dma_semaphore, #tpu.memory_space<semaphore_mem>>
        %dma_start3A_500 = arith.constant 0 : i32
        %dma_start3A_501 = arith.constant 0 : i32
        %dma_start3A_502 = tpu.memref_slice %arg7[%dma_start3A_500, %dma_start3A_501] : memref<1024x32xf32, #tpu.memory_space<vmem>> -> memref<864x32xf32, #tpu.memory_space<vmem>>
        %dma_start3A_503 = arith.constant 0 : i32
        %dma_start3A_504 = tpu.memref_slice %arg6[%mul3A_499, %dma_start3A_503] : memref<110592x32xf32, #tpu.memory_space<hbm>> -> memref<864x32xf32, #tpu.memory_space<hbm>>
        %dma_start3A_505 = arith.constant 0 : i32
        %dma_start3A_506 = tpu.memref_slice %arg6[%mul3A_499, %dma_start3A_505] : memref<110592x32xf32, #tpu.memory_space<hbm>> -> memref<864x32xf32, #tpu.memory_space<hbm>>
        %dma_start3A_507 = arith.constant 0 : i32
        %dma_start3A_508 = arith.constant 0 : i32
        %dma_start3A_509 = tpu.memref_slice %arg7[%dma_start3A_507, %dma_start3A_508] : memref<1024x32xf32, #tpu.memory_space<vmem>> -> memref<864x32xf32, #tpu.memory_space<vmem>>
        tpu.enqueue_dma source(%dma_start3A_509 : memref<864x32xf32, #tpu.memory_space<vmem>>) target(%dma_start3A_506 : memref<864x32xf32, #tpu.memory_space<hbm>>) target_semaphore(%run_scoped3A : memref<!tpu.dma_semaphore, #tpu.memory_space<semaphore_mem>>)
        %dma_wait3A_510 = arith.constant 0 : i32
        %dma_wait3A_511 = arith.constant 0 : i32
        %dma_wait3A_512 = tpu.memref_slice %arg7[%dma_wait3A_510, %dma_wait3A_511] : memref<1024x32xf32, #tpu.memory_space<vmem>> -> memref<864x32xf32, #tpu.memory_space<vmem>>
        %dma_wait3A_513 = arith.constant 0 : i32
        %dma_wait3A_514 = tpu.memref_slice %arg6[%mul3A_499, %dma_wait3A_513] : memref<110592x32xf32, #tpu.memory_space<hbm>> -> memref<864x32xf32, #tpu.memory_space<hbm>>
        %dma_wait3A_515 = arith.constant 0 : i32
        %dma_wait3A_516 = tpu.memref_slice %arg6[%mul3A_499, %dma_wait3A_515] : memref<110592x32xf32, #tpu.memory_space<hbm>> -> memref<864x32xf32, #tpu.memory_space<hbm>>
        %dma_wait3A_517 = arith.constant 0 : i32
        %dma_wait3A_518 = arith.constant 0 : i32
        %dma_wait3A_519 = tpu.memref_slice %arg7[%dma_wait3A_517, %dma_wait3A_518] : memref<1024x32xf32, #tpu.memory_space<vmem>> -> memref<864x32xf32, #tpu.memory_space<vmem>>
        tpu.wait_dma2 semaphore(%run_scoped3A : memref<!tpu.dma_semaphore, #tpu.memory_space<semaphore_mem>>) src(%dma_wait3A_519 : memref<864x32xf32, #tpu.memory_space<vmem>>) dst(%dma_wait3A_516 : memref<864x32xf32, #tpu.memory_space<hbm>>)
        tpu.yield
      }) : () -> ()
      "tpu.trace_stop"() : () -> ()
    }
    %scan3A_5 = arith.constant 4 : i32
    return
  }
}

</mosaic_0001>

<sc_bundles>
// kernel: kernel.3.cloned.1.call-start
scs
__scs_entry_jumppad:
0x0: {  	(pc) =	sbr.rel $0x88, $3  }
0x1: {  	(tag) =	ssettag $0x0;
	lr =	simm.s32 $0x1  }
0x2: {  	[smem:$0x3F9D] =	sst lr;
	_ =	strace $0xD0000000  }
0x3: {  	_ = 	snop  }
0x4: {  	_ = 	snop  }
0x5: {  	_ = 	snop  }
0x6: {  	_ = 	snop  }
0x7: {  	_ = 	snop  }
__scs_overlays_trampoline_lowered:
0x8: {  	[smem:$0x3FAC] =	sst s0  }
0x9: {  	[smem:$0x3FAD] =	sst s1  }
0xa: {  	[smem:$0x3FAE] =	sst s2  }
0xb: {  	[smem:$0x3FAF] =	sst s3  }
0xc: {  	[smem:$0x3FB0] =	sst s4  }
0xd: {  	[smem:$0x3FB1] =	sst s5  }
0xe: {  	[smem:$0x3FB2] =	sst s6  }
0xf: {  	[smem:$0x3FB3] =	sst s7  }
0x10: {  	[smem:$0x3FB4] =	sst s8  }
0x11: {  	[smem:$0x3FB5] =	sst s9;
	s0 =	simm.s32 @!p0 $0x0  }
0x12: {  	s1 =	sld [smem:$0x3F9B];
	s0 =	simm.s32 @p0 $0x1  }
0x13: {  	[smem:$0x3FB6] =	sst s0;
	s0 =	simm.s32 @!p1 $0x0  }
0x14: {  	s2 =	sld [smem:$0x3F9A];
	s0 =	simm.s32 @p1 $0x1  }
0x15: {  	[smem:$0x3FB7] =	sst s0;
	s0 =	simm.s32 @!p2 $0x0  }
0x16: {  	s3 =	sld [smem:$0x3FDB];
	s0 =	simm.s32 @p2 $0x1  }
0x17: {  	s4 =	simm.s32 $0x1BF5;
	[smem:$0x3FB9] =	sst s0  }
0x18: {  	s0 =	sld [smem:$0x3F9C];
	_ =	swait.ge [sflag:s4], $0x0  }
0x19: {  	s7 =	sld [smem:$0x3F9D]  }
0x1a: {  	s8 =	sadd.s32 $0xFFFFE003, lr  }
0x1b: {  	s9 =	sadd.s32 $0xFFFFFEF7, lr;
	s5 =	simm.s32 $0xFFFFFFFF;
	p2 =	slt.u32 s8, $0xFFFFF086  }
0x1c: {  	p1 =	slt.u32 s9, $0xF7A;
	s5 =	simm.s32 @!p2 $0x0  }
0x1d: {  	s5 =	simm.s32 @p1 $0x1;
	p0 =	seq.s32 s7, s2  }
0x1e: {  	s7 =	smul.u32 @!p0 $0xF7A, s2;
	p2 =	seq.s32 @!p0 s5, $0x0  }
0x1f: {  	s9 =	smul.u32 $0xF7A, s1;
	s8 =	simm.s32 @!p0 $0x1BF5;
	p2 =	por !p2, p0  }
0x20: {  	[sflag:s8] =	ssyncset.s32 @!p0 $0xFFFFF086;
	s6 =	sadd.s32 @!p0 s3, s7;
	s7 =	simm.s32 @!p0 $0x108  }
0x21: {  	s3 =	sadd.s32 s3, s9;
	s6 =	sadd.s32 @!p0 $0x88, s6;
	s7 =	simm.s32 @p2 $0x1082  }
0x22: {  	[simem:s7], [sflag:s8] =	dma.local @!p0 [hbm:s6], $0xF7A  }
0x23: {  	s9 =	sor.u32 $0xD0000000, s2;
	s6 =	simm.s32 $0x108;
	_ =	swait.ge @!p0 [sflag:s8], $0x0  }
0x24: {  	s3 =	sadd.s32 $0x88, s3;
	s6 =	simm.s32 @!p1 $0x1082;
	[sflag:s4] =	ssyncset.s32 $0xFFFFF086  }
0x25: {  	[simem:s6], [sflag:s4] =	dma.local [hbm:s3], $0xF7A  }
0x26: {  	[smem:$0x3F9D] =	sst s1;
	(tag) =	ssettag s2;
	_ =	strace s9  }
0x27: {  	s1 =	sld [smem:$0x3FAD]  }
0x28: {  	s2 =	sld [smem:$0x3FAE]  }
0x29: {  	s4 =	sld [smem:$0x3FB0]  }
0x2a: {  	p0 =	seq.s32 s5, $0x0;
	s5 =	sld [smem:$0x3FB1]  }
0x2b: {  	s6 =	sld [smem:$0x3FB2]  }
0x2c: {  	s7 =	sld [smem:$0x3FB3]  }
0x2d: {  	s3 =	simm.s32 $0x108;
	s8 =	sld [smem:$0x3FB4]  }
0x2e: {  	s3 =	simm.s32 @!p0 $0x1082;
	s9 =	sld [smem:$0x3FB5]  }
0x2f: {  	lr =	sadd.s32 s0, s3;
	s0 =	sld [smem:$0x3FAC]  }
0x30: {  	s3 =	sld [smem:$0x3FAF]  }
0x31: {  	[smem:$0x3FB8] =	sst s10  }
0x32: {  	s10 =	sld [smem:$0x3FB6];
	_ =	sdelay $0x3  }
0x33: {  	p0 =	seq.s32 s10, $0x1;
	s10 =	sld [smem:$0x3FB8];
	_ =	sdelay $0x3  }
0x34: {  	[smem:$0x3FB8] =	sst s10  }
0x35: {  	s10 =	sld [smem:$0x3FB7];
	_ =	sdelay $0x3  }
0x36: {  	p1 =	seq.s32 s10, $0x1;
	s10 =	sld [smem:$0x3FB8];
	_ =	sdelay $0x3  }
0x37: {  	[smem:$0x3FB8] =	sst s10  }
0x38: {  	s10 =	sld [smem:$0x3FB9]  }
0x39: {  	_ = 	snop;
	(pc) =	sbr.ind lr, $3  }
0x3a: {  	_ = 	snop  }
0x3b: {  	_ = 	snop  }
0x3c: {  	p2 =	seq.s32 s10, $0x1;
	s10 =	sld [smem:$0x3FB8]  }
0x3d: {  	_ =	shalt  }
0x3e: {  	_ =	shalt  }
0x3f: {  	_ =	shalt  }
0x40: {  	_ =	shalt  }
0x41: {  	_ =	shalt  }
0x42: {  	_ =	shalt  }
0x43: {  	_ =	shalt  }
0x44: {  	_ =	shalt  }
0x45: {  	_ =	shalt  }
0x46: {  	_ =	shalt  }
0x47: {  	_ =	shalt  }
0x48: {  	_ =	shalt  }
0x49: {  	_ =	shalt  }
0x4a: {  	_ =	shalt  }
0x4b: {  	_ =	shalt  }
0x4c: {  	_ =	shalt  }
0x4d: {  	_ =	shalt  }
0x4e: {  	_ =	shalt  }
0x4f: {  	_ =	shalt  }
0x50: {  	_ =	shalt  }
0x51: {  	_ =	shalt  }
0x52: {  	_ =	shalt  }
0x53: {  	_ =	shalt  }
0x54: {  	_ =	shalt  }
0x55: {  	_ =	shalt  }
0x56: {  	_ =	shalt  }
0x57: {  	_ =	shalt  }
0x58: {  	_ =	shalt  }
0x59: {  	_ =	shalt  }
0x5a: {  	_ =	shalt  }
0x5b: {  	_ =	shalt  }
0x5c: {  	_ =	shalt  }
0x5d: {  	_ =	shalt  }
0x5e: {  	_ =	shalt  }
0x5f: {  	_ =	shalt  }
0x60: {  	_ =	shalt  }
0x61: {  	_ =	shalt  }
0x62: {  	_ =	shalt  }
0x63: {  	_ =	shalt  }
0x64: {  	_ =	shalt  }
0x65: {  	_ =	shalt  }
0x66: {  	_ =	shalt  }
0x67: {  	_ =	shalt  }
0x68: {  	_ =	shalt  }
0x69: {  	_ =	shalt  }
0x6a: {  	_ =	shalt  }
0x6b: {  	_ =	shalt  }
0x6c: {  	_ =	shalt  }
0x6d: {  	_ =	shalt  }
0x6e: {  	_ =	shalt  }
0x6f: {  	_ =	shalt  }
0x70: {  	_ =	shalt  }
0x71: {  	_ =	shalt  }
0x72: {  	_ =	shalt  }
0x73: {  	_ =	shalt  }
0x74: {  	_ =	shalt  }
0x75: {  	_ =	shalt  }
0x76: {  	_ =	shalt  }
0x77: {  	_ =	shalt  }
0x78: {  	_ =	shalt  }
0x79: {  	_ =	shalt  }
0x7a: {  	_ =	shalt  }
0x7b: {  	_ =	shalt  }
0x7c: {  	_ =	shalt  }
0x7d: {  	_ =	shalt  }
0x7e: {  	_ =	shalt  }
0x7f: {  	_ =	shalt  }
0x80: {  	_ =	shalt  }
0x81: {  	_ =	shalt  }
0x82: {  	_ =	shalt  }
0x83: {  	_ =	shalt  }
0x84: {  	_ =	shalt  }
0x85: {  	_ =	shalt  }
0x86: {  	_ =	shalt  }
0x87: {  	_ =	shalt  }
.Lfunc_end0:
.L_simem_size_0:
called_computation_lowered:
.L_overlay_start_0:
0x88: {  	s2 =	sld [smem:$0x3FD9]  }
0x89: {  	s3 =	sld [smem:$0x3FFE];
	_ =	sdelay $0x1  }
0x8a: {  	s1 =	srdreg.scid  }
0x8b: {  	s0 =	sand.u32 $0x1, s1  }
0x8c: {  	s17 =	sshll.u32 s0, $0xA;
	s2 =	sadd.s32 s3, s2  }
0x8d: {  	s2 =	sadd.s32 s2, s17  }
0x8e: {  	[smem:$0x3FC4] =	sst s2  }
0x8f: {  	_ = 	snop  }
0x90: {  	s2 =	sld [smem:$0x3FD0];
	(tm) =	ssettm $0x1  }
0x91: {  	s18 =	sld [smem:$0x3FFB];
	_ =	sdelay $0x3  }
0x92: {  	_ =	strace s18  }
0x93: {  	s3 =	sld [smem:$0x3FFC];
	_ =	sdelay $0x3  }
0x94: {  	_ =	strace s3  }
0x95: {  	s3 =	sld [smem:$0x3FFD];
	_ =	sdelay $0x3  }
0x96: {  	_ =	strace s3  }
0x97: {  	_ =	strace $0x8FFFFFFF  }
0x98: {  	s19 =	sld [smem:$0x3FDB];
	_ =	sdelay $0x1  }
0x99: {  	s4 =	simm.s32 $_scs_section_size  }
0x9a: {  	s5 =	simm.s32 $_size__tile_overlayer_lowered;
	s6 =	simm.s32 $_tile_overlayer_lowered  }
0x9b: {  	s22 =	simm.s32 $0x1BFF;
	s21 =	sshll.u32 s6, $0x1;
	s3 =	sadd.s32 s4, s19  }
0x9c: {  	s7 =	simm.s32 $0x0;
	s20 =	sshll.u32 s5, $0x1;
	s5 =	sadd.s32 s21, s3  }
0x9d: {  	[timem:s7], [sflag:s22] =	dma.local [hbm:s5], s20  }
0x9e: {  	_ =	swait.ge [sflag:s22], s20  }
0x9f: {  	s4 =	ssub.s32 $0x0, s20;
	[sflag:s22] =	ssyncset.done $0x0  }
0xa0: {  	[sflag:s22] =	ssyncadd.s32 s4;
	_ =	sdelay $0x1  }
0xa1: {  	s23 =	simm.s32 $0x1B8B  }
0xa2: {  	_ =	swait.ge [sflag:s23], $0x1  }
0xa3: {  	[sflag:s23] =	ssyncset.done $0x0  }
0xa4: {  	s25 =	simm.s32 $0x1B8E;
	s24 =	sld [smem:$0x3FFE];
	[sflag:s23] =	ssyncadd.s32 $0xFFFFFFFF  }
0xa5: {  	s26 =	simm.s32 $execute0_lowered;
	[smem:$0x3FD2] =	sst s25  }
0xa6: {  	s5 =	sshll.u32 s26, $0x1;
	_ =	strace $0x80000046;
	[dreg:$0x1] =	wrdreg $0xFFFFFFFF  }
0xa7: {  	s28 =	simm.s32 $_size_execute0_lowered;
	s3 =	sadd.s32 s3, s5;
	[dreg:$0x0] =	wrdreg $0x0  }
0xa8: {  	s5 =	sshll.u32 s28, $0x1;
	[dreg:$0x2] =	wrdreg s3  }
0xa9: {  	[dreg:$0x3] =	wrdreg s5  }
0xaa: {  	[dreg:$0x4] =	wrdreg $0xC0  }
0xab: {  	_ =	task [dreg:s7], $0x5FFFF  }
0xac: {  	[dreg:$0x1] =	wrdreg $0xFFFFFFFF  }
0xad: {  	[dreg:$0x0] =	wrdreg $0x60  }
0xae: {  	[dreg:$0x2] =	wrdreg s24  }
0xaf: {  	[dreg:$0x3] =	wrdreg s2  }
0xb0: {  	[dreg:$0x4] =	wrdreg $0x9  }
0xb1: {  	_ =	task.clear_ibuf [dreg:s7], $0x5FFFF;
	_ =	strace $0x90000046  }
0xb2: {  	s29 =	simm.s32 $0x9;
	_ =	strace $0x8000004C  }
0xb3: {  	_ =	swait.ge [sflag:s29], $0x1  }
0xb4: {  	[sflag:s29] =	ssyncadd.s32 $0xFFFFFFFF  }
0xb5: {  	_ =	strace $0x9000004C  }
0xb6: {  	_ =	sfence  }
0xb7: {  	s30 =	sld [smem:$0x0];
	_ =	sdelay $0x2  }
0xb8: {  	s31 =	sshll.u32 s1, $0xD;
	s1 =	sshrl.u32 s1, $0x2  }
0xb9: {  	s3 =	sand.u32 $0x4000, s31;
	s1 =	sadd.s32 s1, s30  }
0xba: {  	s0 =	sor.u32 s3, s0;
	s1 =	sshll.u32 s1, $0x11  }
0xbb: {  	s0 =	sor.u32 s1, s0  }
0xbc: {  	s0 =	sadd.s32 $0x8F2B, s0  }
0xbd: {  	[sflag:s0] =	ssyncadd.remote.s32 $0x1  }
0xbe: {  	_ =	sfence.sel $0xFFFF  }
0xbf: {  	[dreg:$0x0] =	wrdreg $0xFFFFFFFF;
	(pc) =	sbr.abs _section_cstart, $3  }
0xc0: {  	[dreg:$0x1] =	wrdreg $0xFFFFFFFF  }
0xc1: {  	_ =	task.clear_ibuf [dreg:s7], $0x2FFFF;
	_ =	strace $0x9FFFFFFF  }
0xc2: {  	(tm) =	ssettm $0x7FFFFFFF  }
0xc3: {  	_ =	shalt  }
tec
execute0_lowered:
.L_overlay_start_1:
0x0: {  	(tag) =	ssettag $0x1  }
0x1: {  	s0 =	rddreg [dreg:$0x0];
	s1 =	simm.s32 $0x0  }
0x2: {  	s24 =	srdreg.scid;
	s7 =	stileid.u32;
	s10 =	simm.s32 $0x18000  }
0x3: {  	s11 =	simm.s32 $0x2;
	s12 =	simm.s32 $0x18400;
	s13 =	simm.s32 $0x80  }
0x4: {  	s28 =	simm.s32 $0x18980;
	s29 =	simm.s32 $0x13000;
	s30 =	simm.s32 $0x18A00  }
0x5: {  	s31 =	simm.s32 $0x14000;
	s9 =	simm.s32 $0x18B00;
	s14 =	simm.s32 $0x17000  }
0x6: {  	s15 =	simm.s32 $0x1;
	s17 =	simm.s32 $0x0;
	[smem:$0x7FF] =	sst s1  }
0x7: {  	s1 =	sand.u32 $0x1, s24;
	s4 =	sadd.s32 $0xC00, s0;
	s5 =	sadd.s32 $0x4C00, s0  }
0x8: {  	s6 =	sadd.s32 $0x27AD000, s0;
	s25 =	sshll.u32 s7, $0x3;
	s7 =	sadd.s32 $0x187600, s0  }
0x9: {  	s24 =	simm.s32 $0x11000;
	s0 =	simm.s32 $0x18A80;
	s2 =	ssub.s32 $0x2, s1  }
0xa: {  	_ =	strace $0x80000047;
	s1 =	sshll.u32 s1, $0x2;
	s3 =	sshrl.u32 s2, $0x1  }
0xb: {  	s8 =	sor.u32 s1, s25;
	s25 =	simm.s32 $0x18900;
	s2 =	ssub.s32 s2, s3  }
0xc: {  	s1 =	simm.s32 $0x16000;
	s3 =	simm.s32 $0x15000;
	s26 =	smax.u32 s2, $0x1  }
0xd: {  	s2 =	simm.s32 $0x18B80;
	[dreg:$0x3] =	wrdreg s26;
	s26 =	simm.s32 $0x12000  }
.LBB2_1:
0xe: {  	[dreg:$0x4] =	wrdreg s17;
	s16 =	simm.s32 $0x0  }
.LBB2_2:
0xf: {  	s17 =	sadd.s32 s8, s16  }
0x10: {  	s18 =	sshll.u32 s17, $0x7  }
0x11: {  	_ =	strace $0x80000048;
	s19 =	simm.s32 $0x0;
	s18 =	sadd.s32 s4, s18  }
0x12: {  	[tilespmem:s10], [sflag:$0x2] =	stream.linear.gather [hbm4b:s18+s19], $0x400, $0x200038;
	[tilespmem:$0x18C00] =	vst v63  }
0x13: {  	_ =	swait.ge [sflag:s11], $0x400  }
0x14: {  	s20 =	sshll.u32 s17, $0x8;
	[sflag:s11] =	ssyncset.done $0x0  }
0x15: {  	s18 =	sadd.s32 s5, s20;
	[sflag:s11] =	ssyncadd.s32 $0xFFFFFC00  }
0x16: {  	[tilespmem:s12], [sflag:$0x2] =	stream.linear.gather [hbm4b:s18+s19], $0x800, $0x200038;
	[tilespmem:$0x18C00] =	vst v63  }
0x17: {  	_ =	swait.ge [sflag:s11], $0x800  }
0x18: {  	[sflag:s11] =	ssyncset.done $0x0  }
0x19: {  	[sflag:s11] =	ssyncadd.s32 $0xFFFFF800  }
0x1a: {  	_ =	strace $0x90000048  }
0x1b: {  	_ =	strace $0x80000049  }
0x1c: {  	[tilespmem:s19], [sflag:$0x1] =	stream.indirect.gather [hbm4b:s6+s13], $0x20, s10, s13, $0x2000b8;
	[tilespmem:$0x18C00] =	vst v63  }
0x1d: {  	s21 =	simm.s32 $0x18080;
	s20 =	simm.s32 $0x1000  }
0x1e: {  	[tilespmem:s20], [sflag:$0x1] =	stream.indirect.gather [hbm4b:s6+s13], $0x20, s21, s13, $0x2000b8;
	[tilespmem:$0x18C00] =	vst v63  }
0x1f: {  	s22 =	simm.s32 $0x18100;
	s23 =	simm.s32 $0x2000  }
0x20: {  	[tilespmem:s23], [sflag:$0x1] =	stream.indirect.gather [hbm4b:s6+s13], $0x20, s22, s13, $0x2000b8;
	[tilespmem:$0x18C00] =	vst v63  }
0x21: {  	s20 =	simm.s32 $0x18180;
	s21 =	simm.s32 $0x3000  }
0x22: {  	[tilespmem:s21], [sflag:$0x1] =	stream.indirect.gather [hbm4b:s6+s13], $0x20, s20, s13, $0x2000b8;
	[tilespmem:$0x18C00] =	vst v63  }
0x23: {  	s22 =	simm.s32 $0x18200;
	s23 =	simm.s32 $0x4000  }
0x24: {  	[tilespmem:s23], [sflag:$0x1] =	stream.indirect.gather [hbm4b:s6+s13], $0x20, s22, s13, $0x2000b8;
	[tilespmem:$0x18C00] =	vst v63  }
0x25: {  	s20 =	simm.s32 $0x18280;
	s21 =	simm.s32 $0x5000  }
0x26: {  	[tilespmem:s21], [sflag:$0x1] =	stream.indirect.gather [hbm4b:s6+s13], $0x20, s20, s13, $0x2000b8;
	[tilespmem:$0x18C00] =	vst v63  }
0x27: {  	s22 =	simm.s32 $0x18300;
	s23 =	simm.s32 $0x6000  }
0x28: {  	[tilespmem:s23], [sflag:$0x1] =	stream.indirect.gather [hbm4b:s6+s13], $0x20, s22, s13, $0x2000b8;
	[tilespmem:$0x18C00] =	vst v63  }
0x29: {  	s21 =	simm.s32 $0x18380;
	s22 =	simm.s32 $0x7000  }
0x2a: {  	[tilespmem:s22], [sflag:$0x1] =	stream.indirect.gather [hbm4b:s6+s13], $0x20, s21, s13, $0x2000b8;
	[tilespmem:$0x18C00] =	vst v63  }
0x2b: {  	s23 =	simm.s32 $0x8000  }
0x2c: {  	[tilespmem:s23], [sflag:$0x1] =	stream.indirect.gather [hbm4b:s7+s13], $0x20, s12, s13, $0x2000b8;
	[tilespmem:$0x18C00] =	vst v63  }
0x2d: {  	s20 =	simm.s32 $0x18480;
	s21 =	simm.s32 $0x9000  }
0x2e: {  	[tilespmem:s21], [sflag:$0x1] =	stream.indirect.gather [hbm4b:s7+s13], $0x20, s20, s13, $0x2000b8;
	[tilespmem:$0x18C00] =	vst v63  }
0x2f: {  	s22 =	simm.s32 $0x18500;
	s23 =	simm.s32 $0xA000  }
0x30: {  	[tilespmem:s23], [sflag:$0x1] =	stream.indirect.gather [hbm4b:s7+s13], $0x20, s22, s13, $0x2000b8;
	[tilespmem:$0x18C00] =	vst v63  }
0x31: {  	s20 =	simm.s32 $0x18580;
	s21 =	simm.s32 $0xB000  }
0x32: {  	[tilespmem:s21], [sflag:$0x1] =	stream.indirect.gather [hbm4b:s7+s13], $0x20, s20, s13, $0x2000b8;
	[tilespmem:$0x18C00] =	vst v63  }
0x33: {  	s22 =	simm.s32 $0x18600;
	s23 =	simm.s32 $0xC000  }
0x34: {  	[tilespmem:s23], [sflag:$0x1] =	stream.indirect.gather [hbm4b:s7+s13], $0x20, s22, s13, $0x2000b8;
	[tilespmem:$0x18C00] =	vst v63  }
0x35: {  	s20 =	simm.s32 $0x18680;
	s21 =	simm.s32 $0xD000  }
0x36: {  	[tilespmem:s21], [sflag:$0x1] =	stream.indirect.gather [hbm4b:s7+s13], $0x20, s20, s13, $0x2000b8;
	[tilespmem:$0x18C00] =	vst v63  }
0x37: {  	s22 =	simm.s32 $0x18700;
	s23 =	simm.s32 $0xE000  }
0x38: {  	[tilespmem:s23], [sflag:$0x1] =	stream.indirect.gather [hbm4b:s7+s13], $0x20, s22, s13, $0x2000b8;
	[tilespmem:$0x18C00] =	vst v63  }
0x39: {  	s20 =	simm.s32 $0x18780;
	s21 =	simm.s32 $0xF000  }
0x3a: {  	[tilespmem:s21], [sflag:$0x1] =	stream.indirect.gather [hbm4b:s7+s13], $0x20, s20, s13, $0x2000b8;
	[tilespmem:$0x18C00] =	vst v63  }
0x3b: {  	s22 =	simm.s32 $0x18800;
	s23 =	simm.s32 $0x10000  }
0x3c: {  	[tilespmem:s23], [sflag:$0x1] =	stream.indirect.gather [hbm4b:s7+s13], $0x20, s22, s13, $0x2000b8;
	[tilespmem:$0x18C00] =	vst v63  }
0x3d: {  	s21 =	simm.s32 $0x18880  }
0x3e: {  	[tilespmem:s24], [sflag:$0x1] =	stream.indirect.gather [hbm4b:s7+s13], $0x20, s21, s13, $0x2000b8;
	[tilespmem:$0x18C00] =	vst v63  }
0x3f: {  	_ = 	snop  }
0x40: {  	[tilespmem:s26], [sflag:$0x1] =	stream.indirect.gather [hbm4b:s7+s13], $0x20, s25, s13, $0x2000b8;
	[tilespmem:$0x18C00] =	vst v63  }
0x41: {  	_ = 	snop  }
0x42: {  	[tilespmem:s29], [sflag:$0x1] =	stream.indirect.gather [hbm4b:s7+s13], $0x20, s28, s13, $0x2000b8;
	[tilespmem:$0x18C00] =	vst v63  }
0x43: {  	_ = 	snop  }
0x44: {  	[tilespmem:s31], [sflag:$0x1] =	stream.indirect.gather [hbm4b:s7+s13], $0x20, s30, s13, $0x2000b8;
	[tilespmem:$0x18C00] =	vst v63  }
0x45: {  	_ = 	snop  }
0x46: {  	[tilespmem:s3], [sflag:$0x1] =	stream.indirect.gather [hbm4b:s7+s13], $0x20, s0, s13, $0x2000b8;
	[tilespmem:$0x18C00] =	vst v63  }
0x47: {  	_ = 	snop  }
0x48: {  	[tilespmem:s1], [sflag:$0x1] =	stream.indirect.gather [hbm4b:s7+s13], $0x20, s9, s13, $0x2000b8;
	[tilespmem:$0x18C00] =	vst v63  }
0x49: {  	_ = 	snop  }
0x4a: {  	[tilespmem:s14], [sflag:$0x1] =	stream.indirect.gather [hbm4b:s7+s13], $0x20, s2, s13, $0x2000b8;
	[tilespmem:$0x18C00] =	vst v63  }
0x4b: {  	_ =	swait.ge [sflag:s15], $0x1000  }
0x4c: {  	[sflag:s15] =	ssyncset.done $0x0  }
0x4d: {  	[sflag:s15] =	ssyncadd.s32 $0xFFFFF000  }
0x4e: {  	_ =	swait.ge [sflag:s15], $0x1000  }
0x4f: {  	[sflag:s15] =	ssyncset.done $0x0  }
0x50: {  	[sflag:s15] =	ssyncadd.s32 $0xFFFFF000  }
0x51: {  	_ =	swait.ge [sflag:s15], $0x1000  }
0x52: {  	[sflag:s15] =	ssyncset.done $0x0  }
0x53: {  	[sflag:s15] =	ssyncadd.s32 $0xFFFFF000  }
0x54: {  	_ =	swait.ge [sflag:s15], $0x1000  }
0x55: {  	[sflag:s15] =	ssyncset.done $0x0  }
0x56: {  	[sflag:s15] =	ssyncadd.s32 $0xFFFFF000  }
0x57: {  	_ =	swait.ge [sflag:s15], $0x1000  }
0x58: {  	[sflag:s15] =	ssyncset.done $0x0  }
0x59: {  	[sflag:s15] =	ssyncadd.s32 $0xFFFFF000  }
0x5a: {  	_ =	swait.ge [sflag:s15], $0x1000  }
0x5b: {  	[sflag:s15] =	ssyncset.done $0x0  }
0x5c: {  	[sflag:s15] =	ssyncadd.s32 $0xFFFFF000  }
0x5d: {  	_ =	swait.ge [sflag:s15], $0x1000  }
0x5e: {  	[sflag:s15] =	ssyncset.done $0x0  }
0x5f: {  	[sflag:s15] =	ssyncadd.s32 $0xFFFFF000  }
0x60: {  	_ =	swait.ge [sflag:s15], $0x1000  }
0x61: {  	[sflag:s15] =	ssyncset.done $0x0  }
0x62: {  	[sflag:s15] =	ssyncadd.s32 $0xFFFFF000  }
0x63: {  	_ =	swait.ge [sflag:s15], $0x1000  }
0x64: {  	[sflag:s15] =	ssyncset.done $0x0  }
0x65: {  	[sflag:s15] =	ssyncadd.s32 $0xFFFFF000  }
0x66: {  	_ =	swait.ge [sflag:s15], $0x1000  }
0x67: {  	[sflag:s15] =	ssyncset.done $0x0  }
0x68: {  	[sflag:s15] =	ssyncadd.s32 $0xFFFFF000  }
0x69: {  	_ =	swait.ge [sflag:s15], $0x1000  }
0x6a: {  	[sflag:s15] =	ssyncset.done $0x0  }
0x6b: {  	[sflag:s15] =	ssyncadd.s32 $0xFFFFF000  }
0x6c: {  	_ =	swait.ge [sflag:s15], $0x1000  }
0x6d: {  	[sflag:s15] =	ssyncset.done $0x0  }
0x6e: {  	[sflag:s15] =	ssyncadd.s32 $0xFFFFF000  }
0x6f: {  	_ =	swait.ge [sflag:s15], $0x1000  }
0x70: {  	[sflag:s15] =	ssyncset.done $0x0  }
0x71: {  	[sflag:s15] =	ssyncadd.s32 $0xFFFFF000  }
0x72: {  	_ =	swait.ge [sflag:s15], $0x1000  }
0x73: {  	[sflag:s15] =	ssyncset.done $0x0  }
0x74: {  	[sflag:s15] =	ssyncadd.s32 $0xFFFFF000  }
0x75: {  	_ =	swait.ge [sflag:s15], $0x1000  }
0x76: {  	[sflag:s15] =	ssyncset.done $0x0  }
0x77: {  	[sflag:s15] =	ssyncadd.s32 $0xFFFFF000  }
0x78: {  	_ =	swait.ge [sflag:s15], $0x1000  }
0x79: {  	[sflag:s15] =	ssyncset.done $0x0  }
0x7a: {  	[sflag:s15] =	ssyncadd.s32 $0xFFFFF000  }
0x7b: {  	_ =	swait.ge [sflag:s15], $0x1000  }
0x7c: {  	[sflag:s15] =	ssyncset.done $0x0  }
0x7d: {  	[sflag:s15] =	ssyncadd.s32 $0xFFFFF000  }
0x7e: {  	_ =	swait.ge [sflag:s15], $0x1000  }
0x7f: {  	[sflag:s15] =	ssyncset.done $0x0  }
0x80: {  	[sflag:s15] =	ssyncadd.s32 $0xFFFFF000  }
0x81: {  	_ =	swait.ge [sflag:s15], $0x1000  }
0x82: {  	[sflag:s15] =	ssyncset.done $0x0  }
0x83: {  	[sflag:s15] =	ssyncadd.s32 $0xFFFFF000  }
0x84: {  	_ =	swait.ge [sflag:s15], $0x1000  }
0x85: {  	[sflag:s15] =	ssyncset.done $0x0  }
0x86: {  	[sflag:s15] =	ssyncadd.s32 $0xFFFFF000  }
0x87: {  	_ =	swait.ge [sflag:s15], $0x1000  }
0x88: {  	[sflag:s15] =	ssyncset.done $0x0  }
0x89: {  	[sflag:s15] =	ssyncadd.s32 $0xFFFFF000  }
0x8a: {  	_ =	swait.ge [sflag:s15], $0x1000  }
0x8b: {  	[sflag:s15] =	ssyncset.done $0x0  }
0x8c: {  	[sflag:s15] =	ssyncadd.s32 $0xFFFFF000  }
0x8d: {  	_ =	swait.ge [sflag:s15], $0x1000  }
0x8e: {  	[sflag:s15] =	ssyncset.done $0x0  }
0x8f: {  	[sflag:s15] =	ssyncadd.s32 $0xFFFFF000  }
0x90: {  	_ =	swait.ge [sflag:s15], $0x1000  }
0x91: {  	[sflag:s15] =	ssyncset.done $0x0  }
0x92: {  	[sflag:s15] =	ssyncadd.s32 $0xFFFFF000  }
0x93: {  	_ =	strace $0x90000049  }
0x94: {  	s18 =	simm.s32 $0x8400;
	_ =	strace $0x8000004A  }
0x95: {  	v3 =	vld [tilespmem:s18+$0xFFFFFC30]  }
0x96: {  	v4 =	vld [tilespmem:s18+$0xFFFFFC40]  }
0x97: {  	v5 =	vld [tilespmem:s18+$0xFFFFFC20]  }
0x98: {  	v6 =	vld [tilespmem:s18+$0xFFFFFC00]  }
0x99: {  	v7 =	vld [tilespmem:s18+$0xFFFFFC10]  }
0x9a: {  	s22 =	sand.u32 $0x7C0, s19;
	v0 =	vld [tilespmem:s18+$0x150]  }
0x9b: {  	s19 =	sadd.s32 $0x18400, s22;
	v8 =	vld [tilespmem:s18+$0xFFFFFC50]  }
0x9c: {  	v2 =	vld [tilespmem:s19+$0x10]  }
0x9d: {  	v1 =	vld [tilespmem:s19+$0x20]  }
0x9e: {  	v9 =	vld [tilespmem:s18+$0xFFFFFC70]  }
0x9f: {  	v10 =	vld [tilespmem:s18+$0xFFFFFC60];
	v6 =	vadd.f32 $0.0e+00, v6;
	v7 =	vadd.f32 $0.0e+00, v7  }
0xa0: {  	v55 =	vld [tilespmem:s18+$0xFFFFFC90]  }
0xa1: {  	v56 =	vld [tilespmem:s18+$0xFFFFFC80];
	v5 =	vadd.f32 v5, v6;
	v3 =	vadd.f32 v3, v7  }
0xa2: {  	v57 =	vld [tilespmem:s18+$0xFFFFFCB0]  }
0xa3: {  	v58 =	vld [tilespmem:s18+$0xFFFFFCA0];
	v4 =	vadd.f32 v4, v5;
	v3 =	vadd.f32 v8, v3  }
0xa4: {  	v59 =	vld [tilespmem:s18+$0xFFFFFCD0]  }
0xa5: {  	v60 =	vld [tilespmem:s18+$0xFFFFFCC0];
	v4 =	vadd.f32 v10, v4;
	v3 =	vadd.f32 v9, v3  }
0xa6: {  	v61 =	vld [tilespmem:s18+$0xFFFFFCF0]  }
0xa7: {  	v62 =	vld [tilespmem:s18+$0xFFFFFCE0];
	v4 =	vadd.f32 v56, v4;
	v3 =	vadd.f32 v55, v3  }
0xa8: {  	v63 =	vld [tilespmem:s18+$0xFFFFFD10]  }
0xa9: {  	v12 =	vld [tilespmem:s18+$0xFFFFFD00];
	v4 =	vadd.f32 v58, v4;
	v3 =	vadd.f32 v57, v3  }
0xaa: {  	v13 =	vld [tilespmem:s18+$0xFFFFFD30]  }
0xab: {  	v14 =	vld [tilespmem:s18+$0xFFFFFD20];
	v4 =	vadd.f32 v60, v4;
	v3 =	vadd.f32 v59, v3  }
0xac: {  	v15 =	vld [tilespmem:s18+$0xFFFFFD50]  }
0xad: {  	v16 =	vld [tilespmem:s18+$0xFFFFFD40];
	v4 =	vadd.f32 v62, v4;
	v3 =	vadd.f32 v61, v3  }
0xae: {  	v17 =	vld [tilespmem:s18+$0xFFFFFD70]  }
0xaf: {  	v18 =	vld [tilespmem:s18+$0xFFFFFD60];
	v4 =	vadd.f32 v12, v4;
	v3 =	vadd.f32 v63, v3  }
0xb0: {  	v19 =	vld [tilespmem:s18+$0xFFFFFD90]  }
0xb1: {  	v20 =	vld [tilespmem:s18+$0xFFFFFD80];
	v4 =	vadd.f32 v14, v4;
	v3 =	vadd.f32 v13, v3  }
0xb2: {  	v21 =	vld [tilespmem:s18+$0xFFFFFDB0]  }
0xb3: {  	v22 =	vld [tilespmem:s18+$0xFFFFFDA0];
	v4 =	vadd.f32 v16, v4;
	v3 =	vadd.f32 v15, v3  }
0xb4: {  	v23 =	vld [tilespmem:s18+$0xFFFFFDD0]  }
0xb5: {  	v24 =	vld [tilespmem:s18+$0xFFFFFDC0];
	v4 =	vadd.f32 v18, v4;
	v3 =	vadd.f32 v17, v3  }
0xb6: {  	v25 =	vld [tilespmem:s18+$0xFFFFFDF0]  }
0xb7: {  	v26 =	vld [tilespmem:s18+$0xFFFFFDE0];
	v4 =	vadd.f32 v20, v4;
	v3 =	vadd.f32 v19, v3  }
0xb8: {  	v27 =	vld [tilespmem:s18+$0xFFFFFE10]  }
0xb9: {  	v28 =	vld [tilespmem:s18+$0xFFFFFE00];
	v4 =	vadd.f32 v22, v4;
	v3 =	vadd.f32 v21, v3  }
0xba: {  	v29 =	vld [tilespmem:s18+$0xFFFFFE30]  }
0xbb: {  	v30 =	vld [tilespmem:s18+$0xFFFFFE20];
	v4 =	vadd.f32 v24, v4;
	v3 =	vadd.f32 v23, v3  }
0xbc: {  	v31 =	vld [tilespmem:s18+$0xFFFFFE50]  }
0xbd: {  	v32 =	vld [tilespmem:s18+$0xFFFFFE40];
	v4 =	vadd.f32 v26, v4;
	v3 =	vadd.f32 v25, v3  }
0xbe: {  	v33 =	vld [tilespmem:s18+$0xFFFFFE70]  }
0xbf: {  	v34 =	vld [tilespmem:s18+$0xFFFFFE60];
	v4 =	vadd.f32 v28, v4;
	v3 =	vadd.f32 v27, v3  }
0xc0: {  	v35 =	vld [tilespmem:s18+$0xFFFFFE90]  }
0xc1: {  	v36 =	vld [tilespmem:s18+$0xFFFFFE80];
	v4 =	vadd.f32 v30, v4;
	v3 =	vadd.f32 v29, v3  }
0xc2: {  	v37 =	vld [tilespmem:s18+$0xFFFFFEB0]  }
0xc3: {  	v38 =	vld [tilespmem:s18+$0xFFFFFEA0];
	v4 =	vadd.f32 v32, v4;
	v3 =	vadd.f32 v31, v3  }
0xc4: {  	v39 =	vld [tilespmem:s18+$0xFFFFFED0]  }
0xc5: {  	v40 =	vld [tilespmem:s18+$0xFFFFFEC0];
	v4 =	vadd.f32 v34, v4;
	v3 =	vadd.f32 v33, v3  }
0xc6: {  	v41 =	vld [tilespmem:s18+$0xFFFFFEF0]  }
0xc7: {  	v42 =	vld [tilespmem:s18+$0xFFFFFEE0];
	v4 =	vadd.f32 v36, v4;
	v3 =	vadd.f32 v35, v3  }
0xc8: {  	v43 =	vld [tilespmem:s18+$0xFFFFFF10]  }
0xc9: {  	v44 =	vld [tilespmem:s18+$0xFFFFFF00];
	v4 =	vadd.f32 v38, v4;
	v3 =	vadd.f32 v37, v3  }
0xca: {  	v45 =	vld [tilespmem:s18+$0xFFFFFF30]  }
0xcb: {  	v46 =	vld [tilespmem:s18+$0xFFFFFF20];
	v4 =	vadd.f32 v40, v4;
	v3 =	vadd.f32 v39, v3  }
0xcc: {  	v47 =	vld [tilespmem:s18+$0xFFFFFF50]  }
0xcd: {  	v48 =	vld [tilespmem:s18+$0xFFFFFF40];
	v4 =	vadd.f32 v42, v4;
	v3 =	vadd.f32 v41, v3  }
0xce: {  	v49 =	vld [tilespmem:s18+$0xFFFFFF70]  }
0xcf: {  	v50 =	vld [tilespmem:s18+$0xFFFFFF60];
	v4 =	vadd.f32 v44, v4;
	v3 =	vadd.f32 v43, v3  }
0xd0: {  	v51 =	vld [tilespmem:s18+$0xFFFFFF90]  }
0xd1: {  	v52 =	vld [tilespmem:s18+$0xFFFFFF80];
	v4 =	vadd.f32 v46, v4;
	v3 =	vadd.f32 v45, v3  }
0xd2: {  	v53 =	vld [tilespmem:s18+$0xFFFFFFB0]  }
0xd3: {  	v54 =	vld [tilespmem:s18+$0xFFFFFFA0];
	v4 =	vadd.f32 v48, v4;
	v3 =	vadd.f32 v47, v3  }
0xd4: {  	v55 =	vld [tilespmem:s18+$0xFFFFFFD0]  }
0xd5: {  	v56 =	vld [tilespmem:s18+$0xFFFFFFC0];
	v4 =	vadd.f32 v50, v4;
	v3 =	vadd.f32 v49, v3  }
0xd6: {  	v57 =	vld [tilespmem:s18+$0xFFFFFFF0]  }
0xd7: {  	v58 =	vld [tilespmem:s18+$0xFFFFFFE0];
	v4 =	vadd.f32 v52, v4;
	v3 =	vadd.f32 v51, v3  }
0xd8: {  	v59 =	vld [tilespmem:s18+$0x10]  }
0xd9: {  	v60 =	vld [tilespmem:s18+$0x0];
	v4 =	vadd.f32 v54, v4;
	v3 =	vadd.f32 v53, v3  }
0xda: {  	v61 =	vld [tilespmem:s18+$0x30]  }
0xdb: {  	v62 =	vld [tilespmem:s18+$0x20];
	v4 =	vadd.f32 v56, v4;
	v3 =	vadd.f32 v55, v3  }
0xdc: {  	v63 =	vld [tilespmem:s18+$0x50]  }
0xdd: {  	v12 =	vld [tilespmem:s18+$0x40];
	v4 =	vadd.f32 v58, v4;
	v3 =	vadd.f32 v57, v3  }
0xde: {  	v13 =	vld [tilespmem:s18+$0x70]  }
0xdf: {  	v14 =	vld [tilespmem:s18+$0x60];
	v4 =	vadd.f32 v60, v4;
	v3 =	vadd.f32 v59, v3  }
0xe0: {  	v15 =	vld [tilespmem:s18+$0x90]  }
0xe1: {  	v16 =	vld [tilespmem:s18+$0x80];
	v4 =	vadd.f32 v62, v4;
	v3 =	vadd.f32 v61, v3  }
0xe2: {  	v17 =	vld [tilespmem:s18+$0xB0]  }
0xe3: {  	v18 =	vld [tilespmem:s18+$0xA0];
	v4 =	vadd.f32 v12, v4;
	v3 =	vadd.f32 v63, v3  }
0xe4: {  	v19 =	vld [tilespmem:s18+$0xD0]  }
0xe5: {  	v20 =	vld [tilespmem:s18+$0xC0];
	v4 =	vadd.f32 v14, v4;
	v3 =	vadd.f32 v13, v3  }
0xe6: {  	v21 =	vld [tilespmem:s18+$0xF0]  }
0xe7: {  	v22 =	vld [tilespmem:s18+$0xE0];
	v4 =	vadd.f32 v16, v4;
	v3 =	vadd.f32 v15, v3  }
0xe8: {  	v23 =	vld [tilespmem:s18+$0x110]  }
0xe9: {  	v24 =	vld [tilespmem:s18+$0x100];
	v4 =	vadd.f32 v18, v4;
	v3 =	vadd.f32 v17, v3  }
0xea: {  	v27 =	vld [tilespmem:s22+$0x18400]  }
0xeb: {  	v25 =	vld [tilespmem:s18+$0x130];
	v4 =	vadd.f32 v20, v4;
	v3 =	vadd.f32 v19, v3  }
0xec: {  	v11 =	vsub.s32 $0x0, v2;
	v26 =	vld [tilespmem:s18+$0x120]  }
0xed: {  	v2 =	vmin.u32 v2, v11;
	v29 =	vld [tilespmem:s19+$0x30];
	v4 =	vadd.f32 v22, v4;
	v3 =	vadd.f32 v21, v3  }
0xee: {  	vm0 =	vlt.s32 v2, $0x1;
	v28 =	vld [tilespmem:s18+$0x140]  }
0xef: {  	v30 =	vld [tilespmem:s18+$0x160];
	v34 =	vsub.s32 $0x0, v27;
	v4 =	vadd.f32 v24, v4;
	v3 =	vadd.f32 v23, v3  }
0xf0: {  	v2 =	vnsel vm0, $0x1, v2;
	v31 =	vld [tilespmem:s18+$0x170];
	v35 =	vmin.u32 v27, v34  }
0xf1: {  	v32 =	vld [tilespmem:s18+$0x180];
	vm14 =	vlt.s32 v35, $0x1;
	v4 =	vadd.f32 v26, v4;
	v3 =	vadd.f32 v25, v3  }
0xf2: {  	v33 =	vld [tilespmem:s18+$0x190];
	v37 =	vsub.s32 $0x0, v29;
	v9 =	vnsel vm14, $0x1, v35;
	v12 =	vsub.s32 $0x0, v1  }
0xf3: {  	v36 =	vld [tilespmem:s18+$0x1A0];
	v1 =	vmin.u32 v1, v12;
	v4 =	vadd.f32 v28, v4;
	v0 =	vadd.f32 v0, v3  }
0xf4: {  	v7 =	vmin.u32 v29, v37;
	v2 =	vadd.s32 v9, v2;
	vm13 =	vlt.s32 v1, $0x1;
	v3 =	vld [tilespmem:s18+$0x1B0]  }
0xf5: {  	v38 =	vld [tilespmem:s18+$0x1D0];
	v1 =	vnsel vm13, $0x1, v1;
	v4 =	vadd.f32 v30, v4;
	v0 =	vadd.f32 v31, v0  }
0xf6: {  	v39 =	vld [tilespmem:s18+$0x1C0];
	vm15 =	vlt.s32 v7, $0x1;
	v1 =	vadd.s32 v1, v2  }
0xf7: {  	v40 =	vld [tilespmem:s18+$0x1F0];
	v2 =	vnsel vm15, $0x1, v7;
	v4 =	vadd.f32 v32, v4;
	v0 =	vadd.f32 v33, v0  }
0xf8: {  	v41 =	vld [tilespmem:s18+$0x1E0];
	v1 =	vadd.s32 v2, v1  }
0xf9: {  	(xrf0) =	vadd.scan.msk.s32 $0xffff, v1;
	v1 =	vld [tilespmem:s18+$0x200];
	v2 =	vadd.f32 v36, v4;
	v0 =	vadd.f32 v3, v0  }
0xfa: {  	v3 =	vld [tilespmem:s18+$0x210]  }
0xfb: {  	v42 =	vld [tilespmem:s18+$0x220];
	v2 =	vadd.f32 v39, v2;
	v0 =	vadd.f32 v38, v0  }
0xfc: {  	v43 =	vld [tilespmem:s18+$0x230]  }
0xfd: {  	v44 =	vld [tilespmem:s18+$0x240];
	v2 =	vadd.f32 v41, v2;
	v0 =	vadd.f32 v40, v0  }
0xfe: {  	v45 =	vld [tilespmem:s18+$0x250]  }
0xff: {  	v46 =	vld [tilespmem:s18+$0x270];
	v1 =	vadd.f32 v1, v2;
	v0 =	vadd.f32 v3, v0;
	v3, _, _ =	vpop (xrf0)  }
0x100: {  	v2 =	vld [tilespmem:s18+$0x260];
	(v2sf) =	vpush v3, $0xF  }
0x101: {  	v47 =	vld [tilespmem:s18+$0x290];
	v1 =	vadd.f32 v42, v1;
	v0 =	vadd.f32 v43, v0  }
0x102: {  	v3 =	vld [tilespmem:s18+$0x280]  }
0x103: {  	v48 =	vld [tilespmem:s18+$0x2A0];
	v1 =	vadd.f32 v44, v1;
	v0 =	vadd.f32 v45, v0  }
0x104: {  	v49 =	vld [tilespmem:s18+$0x2B0]  }
0x105: {  	v50 =	vld [tilespmem:s18+$0x2D0];
	v1 =	vadd.f32 v2, v1;
	v0 =	vadd.f32 v46, v0  }
0x106: {  	v2 =	vld [tilespmem:s18+$0x2C0]  }
0x107: {  	v51 =	vld [tilespmem:s18+$0x2F0];
	v1 =	vadd.f32 v3, v1;
	v0 =	vadd.f32 v47, v0  }
0x108: {  	v3 =	vld [tilespmem:s18+$0x2E0]  }
0x109: {  	v52 =	vld [tilespmem:s18+$0x300];
	v1 =	vadd.f32 v48, v1;
	v0 =	vadd.f32 v49, v0  }
0x10a: {  	v53 =	vld [tilespmem:s18+$0x310]  }
0x10b: {  	v54 =	vld [tilespmem:s18+$0x330];
	v1 =	vadd.f32 v2, v1;
	v0 =	vadd.f32 v50, v0  }
0x10c: {  	v2 =	vld [tilespmem:s18+$0x320]  }
0x10d: {  	v55 =	vld [tilespmem:s18+$0x350];
	v1 =	vadd.f32 v3, v1;
	v0 =	vadd.f32 v51, v0  }
0x10e: {  	v3 =	vld [tilespmem:s18+$0x340]  }
0x10f: {  	v56 =	vld [tilespmem:s18+$0x360];
	v1 =	vadd.f32 v52, v1;
	v0 =	vadd.f32 v53, v0;
	s23 =	spop (v2sf)  }
0x110: {  	v57 =	vld [tilespmem:s18+$0x370];
	s19 =	scvt.s32.f32 s23  }
0x111: {  	v58 =	vld [tilespmem:s18+$0x390];
	v1 =	vadd.f32 v2, v1;
	v0 =	vadd.f32 v54, v0  }
0x112: {  	v2 =	vld [tilespmem:s18+$0x380];
	s19 =	sadd.f32 $1.000000020e-16, s19  }
0x113: {  	v59 =	vld [tilespmem:s18+$0x3B0];
	v1 =	vadd.f32 v3, v1;
	v0 =	vadd.f32 v55, v0  }
0x114: {  	v3 =	vld [tilespmem:s18+$0x3A0];
	v60 =	vmov s19  }
0x115: {  	v61 =	vld [tilespmem:s18+$0x3C0];
	v1 =	vadd.f32 v56, v1;
	v0 =	vadd.f32 v57, v0;
	(erf) = vrcp.f32 v60  }
0x116: {  	v62 =	vld [tilespmem:s18+$0x3D0]  }
0x117: {  	v63 =	vld [tilespmem:s18+$0x3E0];
	v1 =	vadd.f32 v2, v1;
	v0 =	vadd.f32 v58, v0  }
0x118: {  	v2 =	vld [tilespmem:s18+$0x3F0]  }
0x119: {  	v1 =	vadd.f32 v3, v1;
	v0 =	vadd.f32 v59, v0;
	_ =	sdelay $0x1  }
0x11a: {  	v1 =	vadd.f32 v61, v1;
	v0 =	vadd.f32 v62, v0;
	_ =	sdelay $0x1  }
0x11b: {  	v1 =	vadd.f32 v63, v1;
	v2 =	vadd.f32 v2, v0  }
0x11c: {  	v3 =	vpop (erf)  }
0x11d: {  	s20 =	simm.s32 $0x40;
	s21 =	simm.s32 $0x350;
	s19 =	simm.s32 $0x350;
	v0 =	vmul.f32 v3, v1;
	v1 =	vmul.f32 v3, v2  }
.LBB2_3:
0x11e: {  	p0 =	sne.s32 s20, $0x7C0;
	s19 =	sadd.s32 $0x360, s19;
	s18 =	sadd.s32 $0x800, s18  }
0x11f: {  	s22 =	smov.u32 s20;
	s20 =	sadd.s32 $0x40, s20;
	[tilespmem:s21+$0x0] =	vst v1  }
0x120: {  	[tilespmem:s21+$0xFFFFFFF0] =	vst v0;
	s21 =	smov.u32 s19  }
0x121: {  	v2 =	vld [tilespmem:s18+$0xFFFFFC30]  }
0x122: {  	v3 =	vld [tilespmem:s18+$0xFFFFFC40]  }
0x123: {  	v4 =	vld [tilespmem:s18+$0xFFFFFC20]  }
0x124: {  	v0 =	vld [tilespmem:s18+$0x170]  }
0x125: {  	v5 =	vld [tilespmem:s18+$0xFFFFFC00]  }
0x126: {  	v6 =	vld [tilespmem:s18+$0xFFFFFC10]  }
0x127: {  	s23 =	sand.u32 $0x7C0, s22;
	v1 =	vld [tilespmem:s18+$0x150]  }
0x128: {  	s22 =	sadd.s32 $0x18400, s23;
	v7 =	vld [tilespmem:s18+$0xFFFFFC50]  }
0x129: {  	v8 =	vld [tilespmem:s22+$0x10]  }
0x12a: {  	v5 =	vadd.f32 $0.0e+00, v5;
	v9 =	vld [tilespmem:s22+$0x20]  }
0x12b: {  	v6 =	vadd.f32 $0.0e+00, v6;
	v10 =	vld [tilespmem:s18+$0xFFFFFC70]  }
0x12c: {  	v4 =	vadd.f32 v4, v5;
	v5 =	vld [tilespmem:s18+$0xFFFFFC60]  }
0x12d: {  	v2 =	vadd.f32 v2, v6;
	v6 =	vld [tilespmem:s18+$0xFFFFFC90]  }
0x12e: {  	v3 =	vadd.f32 v3, v4;
	v4 =	vld [tilespmem:s18+$0xFFFFFC80];
	v11 =	vsub.s32 $0x0, v8  }
0x12f: {  	v2 =	vadd.f32 v7, v2;
	v7 =	vld [tilespmem:s18+$0xFFFFFCB0];
	v8 =	vmin.u32 v8, v11;
	v11 =	vsub.s32 $0x0, v9  }
0x130: {  	v12 =	vld [tilespmem:s18+$0xFFFFFCA0];
	vm0 =	vlt.s32 v8, $0x1;
	v9 =	vmin.u32 v9, v11  }
0x131: {  	v5 =	vadd.f32 v5, v3;
	v2 =	vadd.f32 v10, v2;
	v10 =	vld [tilespmem:s18+$0xFFFFFCD0];
	v3 =	vnsel vm0, $0x1, v8  }
0x132: {  	vm0 =	vlt.s32 v9, $0x1;
	v8 =	vld [tilespmem:s18+$0xFFFFFCC0]  }
0x133: {  	v4 =	vadd.f32 v4, v5;
	v5 =	vadd.f32 v6, v2;
	v6 =	vld [tilespmem:s18+$0xFFFFFCF0];
	v2 =	vnsel vm0, $0x1, v9  }
0x134: {  	v9 =	vld [tilespmem:s18+$0xFFFFFCE0]  }
0x135: {  	v4 =	vadd.f32 v12, v4;
	v5 =	vadd.f32 v7, v5;
	v7 =	vld [tilespmem:s18+$0xFFFFFD10]  }
0x136: {  	v11 =	vld [tilespmem:s18+$0xFFFFFD00]  }
0x137: {  	v4 =	vadd.f32 v8, v4;
	v5 =	vadd.f32 v10, v5;
	v8 =	vld [tilespmem:s18+$0xFFFFFD30]  }
0x138: {  	v10 =	vld [tilespmem:s18+$0xFFFFFD20]  }
0x139: {  	v4 =	vadd.f32 v9, v4;
	v5 =	vadd.f32 v6, v5;
	v6 =	vld [tilespmem:s18+$0xFFFFFD50]  }
0x13a: {  	v9 =	vld [tilespmem:s18+$0xFFFFFD40]  }
0x13b: {  	v4 =	vadd.f32 v11, v4;
	v5 =	vadd.f32 v7, v5;
	v7 =	vld [tilespmem:s18+$0xFFFFFD70]  }
0x13c: {  	v11 =	vld [tilespmem:s18+$0xFFFFFD60]  }
0x13d: {  	v4 =	vadd.f32 v10, v4;
	v5 =	vadd.f32 v8, v5;
	v8 =	vld [tilespmem:s18+$0xFFFFFD90]  }
0x13e: {  	v10 =	vld [tilespmem:s18+$0xFFFFFD80]  }
0x13f: {  	v4 =	vadd.f32 v9, v4;
	v5 =	vadd.f32 v6, v5;
	v6 =	vld [tilespmem:s18+$0xFFFFFDB0]  }
0x140: {  	v9 =	vld [tilespmem:s18+$0xFFFFFDA0]  }
0x141: {  	v4 =	vadd.f32 v11, v4;
	v5 =	vadd.f32 v7, v5;
	v7 =	vld [tilespmem:s18+$0xFFFFFDD0]  }
0x142: {  	v11 =	vld [tilespmem:s18+$0xFFFFFDC0]  }
0x143: {  	v4 =	vadd.f32 v10, v4;
	v5 =	vadd.f32 v8, v5;
	v8 =	vld [tilespmem:s18+$0xFFFFFDF0]  }
0x144: {  	v10 =	vld [tilespmem:s18+$0xFFFFFDE0]  }
0x145: {  	v4 =	vadd.f32 v9, v4;
	v5 =	vadd.f32 v6, v5;
	v6 =	vld [tilespmem:s18+$0xFFFFFE10]  }
0x146: {  	v9 =	vld [tilespmem:s18+$0xFFFFFE00]  }
0x147: {  	v4 =	vadd.f32 v11, v4;
	v5 =	vadd.f32 v7, v5;
	v7 =	vld [tilespmem:s18+$0xFFFFFE30]  }
0x148: {  	v11 =	vld [tilespmem:s18+$0xFFFFFE20]  }
0x149: {  	v4 =	vadd.f32 v10, v4;
	v5 =	vadd.f32 v8, v5;
	v8 =	vld [tilespmem:s18+$0xFFFFFE50]  }
0x14a: {  	v10 =	vld [tilespmem:s18+$0xFFFFFE40]  }
0x14b: {  	v4 =	vadd.f32 v9, v4;
	v5 =	vadd.f32 v6, v5;
	v6 =	vld [tilespmem:s18+$0xFFFFFE70]  }
0x14c: {  	v9 =	vld [tilespmem:s18+$0xFFFFFE60]  }
0x14d: {  	v4 =	vadd.f32 v11, v4;
	v5 =	vadd.f32 v7, v5;
	v7 =	vld [tilespmem:s18+$0xFFFFFE90]  }
0x14e: {  	v11 =	vld [tilespmem:s18+$0xFFFFFE80]  }
0x14f: {  	v4 =	vadd.f32 v10, v4;
	v5 =	vadd.f32 v8, v5;
	v8 =	vld [tilespmem:s18+$0xFFFFFEB0]  }
0x150: {  	v10 =	vld [tilespmem:s18+$0xFFFFFEA0]  }
0x151: {  	v4 =	vadd.f32 v9, v4;
	v5 =	vadd.f32 v6, v5;
	v6 =	vld [tilespmem:s18+$0xFFFFFED0]  }
0x152: {  	v9 =	vld [tilespmem:s18+$0xFFFFFEC0]  }
0x153: {  	v4 =	vadd.f32 v11, v4;
	v5 =	vadd.f32 v7, v5;
	v7 =	vld [tilespmem:s18+$0xFFFFFEF0]  }
0x154: {  	v11 =	vld [tilespmem:s18+$0xFFFFFEE0]  }
0x155: {  	v4 =	vadd.f32 v10, v4;
	v5 =	vadd.f32 v8, v5;
	v8 =	vld [tilespmem:s18+$0xFFFFFF10]  }
0x156: {  	v10 =	vld [tilespmem:s18+$0xFFFFFF00]  }
0x157: {  	v4 =	vadd.f32 v9, v4;
	v5 =	vadd.f32 v6, v5;
	v6 =	vld [tilespmem:s18+$0xFFFFFF30]  }
0x158: {  	v9 =	vld [tilespmem:s18+$0xFFFFFF20]  }
0x159: {  	v4 =	vadd.f32 v11, v4;
	v5 =	vadd.f32 v7, v5;
	v7 =	vld [tilespmem:s18+$0xFFFFFF50]  }
0x15a: {  	v11 =	vld [tilespmem:s18+$0xFFFFFF40]  }
0x15b: {  	v4 =	vadd.f32 v10, v4;
	v5 =	vadd.f32 v8, v5;
	v8 =	vld [tilespmem:s18+$0xFFFFFF70]  }
0x15c: {  	v10 =	vld [tilespmem:s18+$0xFFFFFF60]  }
0x15d: {  	v4 =	vadd.f32 v9, v4;
	v5 =	vadd.f32 v6, v5;
	v6 =	vld [tilespmem:s18+$0xFFFFFF90]  }
0x15e: {  	v9 =	vld [tilespmem:s18+$0xFFFFFF80]  }
0x15f: {  	v4 =	vadd.f32 v11, v4;
	v5 =	vadd.f32 v7, v5;
	v7 =	vld [tilespmem:s18+$0xFFFFFFB0]  }
0x160: {  	v11 =	vld [tilespmem:s18+$0xFFFFFFA0]  }
0x161: {  	v4 =	vadd.f32 v10, v4;
	v5 =	vadd.f32 v8, v5;
	v8 =	vld [tilespmem:s18+$0xFFFFFFD0]  }
0x162: {  	v10 =	vld [tilespmem:s18+$0xFFFFFFC0]  }
0x163: {  	v4 =	vadd.f32 v9, v4;
	v5 =	vadd.f32 v6, v5;
	v6 =	vld [tilespmem:s18+$0xFFFFFFF0]  }
0x164: {  	v9 =	vld [tilespmem:s18+$0xFFFFFFE0]  }
0x165: {  	v4 =	vadd.f32 v11, v4;
	v5 =	vadd.f32 v7, v5;
	v7 =	vld [tilespmem:s18+$0x10]  }
0x166: {  	v11 =	vld [tilespmem:s18+$0x0]  }
0x167: {  	v4 =	vadd.f32 v10, v4;
	v5 =	vadd.f32 v8, v5;
	v8 =	vld [tilespmem:s18+$0x30]  }
0x168: {  	v10 =	vld [tilespmem:s18+$0x20]  }
0x169: {  	v4 =	vadd.f32 v9, v4;
	v5 =	vadd.f32 v6, v5;
	v6 =	vld [tilespmem:s18+$0x50]  }
0x16a: {  	v9 =	vld [tilespmem:s18+$0x40]  }
0x16b: {  	v4 =	vadd.f32 v11, v4;
	v5 =	vadd.f32 v7, v5;
	v7 =	vld [tilespmem:s18+$0x70]  }
0x16c: {  	v11 =	vld [tilespmem:s18+$0x60]  }
0x16d: {  	v4 =	vadd.f32 v10, v4;
	v5 =	vadd.f32 v8, v5;
	v8 =	vld [tilespmem:s18+$0x90]  }
0x16e: {  	v10 =	vld [tilespmem:s18+$0x80]  }
0x16f: {  	v4 =	vadd.f32 v9, v4;
	v5 =	vadd.f32 v6, v5;
	v6 =	vld [tilespmem:s18+$0xB0]  }
0x170: {  	v9 =	vld [tilespmem:s18+$0xA0]  }
0x171: {  	v4 =	vadd.f32 v11, v4;
	v5 =	vadd.f32 v7, v5;
	v7 =	vld [tilespmem:s18+$0xD0]  }
0x172: {  	v11 =	vld [tilespmem:s18+$0xC0]  }
0x173: {  	v4 =	vadd.f32 v10, v4;
	v5 =	vadd.f32 v8, v5;
	v8 =	vld [tilespmem:s18+$0xF0]  }
0x174: {  	v10 =	vld [tilespmem:s18+$0xE0]  }
0x175: {  	v4 =	vadd.f32 v9, v4;
	v5 =	vadd.f32 v6, v5;
	v6 =	vld [tilespmem:s18+$0x110]  }
0x176: {  	v9 =	vld [tilespmem:s18+$0x100]  }
0x177: {  	v4 =	vadd.f32 v11, v4;
	v5 =	vadd.f32 v7, v5;
	v7 =	vld [tilespmem:s18+$0x130]  }
0x178: {  	v11 =	vld [tilespmem:s18+$0x120]  }
0x179: {  	v4 =	vadd.f32 v10, v4;
	v5 =	vadd.f32 v8, v5;
	v8 =	vld [tilespmem:s23+$0x18400]  }
0x17a: {  	v10 =	vld [tilespmem:s18+$0x140]  }
0x17b: {  	v4 =	vadd.f32 v9, v4;
	v5 =	vadd.f32 v6, v5;
	v6 =	vld [tilespmem:s22+$0x30]  }
0x17c: {  	v9 =	vld [tilespmem:s18+$0x160]  }
0x17d: {  	v4 =	vadd.f32 v11, v4;
	v5 =	vadd.f32 v7, v5;
	v7 =	vld [tilespmem:s18+$0x190]  }
0x17e: {  	v11 =	vld [tilespmem:s18+$0x180];
	v12 =	vsub.s32 $0x0, v8  }
0x17f: {  	v4 =	vadd.f32 v10, v4;
	v1 =	vadd.f32 v1, v5;
	v5 =	vld [tilespmem:s18+$0x1B0];
	v8 =	vmin.u32 v8, v12  }
0x180: {  	v10 =	vld [tilespmem:s18+$0x1A0];
	vm0 =	vlt.s32 v8, $0x1;
	v12 =	vsub.s32 $0x0, v6  }
0x181: {  	v4 =	vadd.f32 v9, v4;
	v0 =	vadd.f32 v0, v1;
	v1 =	vld [tilespmem:s18+$0x1D0];
	v8 =	vnsel vm0, $0x1, v8  }
0x182: {  	v6 =	vmin.u32 v6, v12;
	v9 =	vld [tilespmem:s18+$0x1C0];
	v3 =	vadd.s32 v8, v3  }
0x183: {  	vm0 =	vlt.s32 v6, $0x1;
	v4 =	vadd.f32 v11, v4;
	v0 =	vadd.f32 v7, v0;
	v7 =	vld [tilespmem:s18+$0x1F0]  }
0x184: {  	v2 =	vadd.s32 v2, v3;
	v3 =	vnsel vm0, $0x1, v6;
	v8 =	vld [tilespmem:s18+$0x1E0]  }
0x185: {  	v2 =	vadd.s32 v3, v2;
	v4 =	vadd.f32 v10, v4;
	v0 =	vadd.f32 v5, v0;
	v5 =	vld [tilespmem:s18+$0x210]  }
0x186: {  	v3 =	vld [tilespmem:s18+$0x200];
	(xrf0) =	vadd.scan.msk.s32 $0xffff, v2  }
0x187: {  	v2 =	vadd.f32 v9, v4;
	v0 =	vadd.f32 v1, v0  }
0x188: {  	v1 =	vld [tilespmem:s18+$0x220]  }
0x189: {  	v2 =	vadd.f32 v8, v2;
	v0 =	vadd.f32 v7, v0;
	v4 =	vld [tilespmem:s18+$0x230]  }
0x18a: {  	v6 =	vld [tilespmem:s18+$0x240]  }
0x18b: {  	v2 =	vadd.f32 v3, v2;
	v0 =	vadd.f32 v5, v0;
	v3 =	vld [tilespmem:s18+$0x250]  }
0x18c: {  	v5 =	vld [tilespmem:s18+$0x260];
	v7, _, _ =	vpop (xrf0)  }
0x18d: {  	v1 =	vadd.f32 v1, v2;
	v2 =	vld [tilespmem:s18+$0x270];
	(v2sf) =	vpush v7, $0xF  }
0x18e: {  	v0 =	vadd.f32 v4, v0;
	v4 =	vld [tilespmem:s18+$0x280]  }
0x18f: {  	v1 =	vadd.f32 v6, v1;
	v6 =	vld [tilespmem:s18+$0x290]  }
0x190: {  	v0 =	vadd.f32 v3, v0;
	v3 =	vld [tilespmem:s18+$0x2A0]  }
0x191: {  	v1 =	vadd.f32 v5, v1;
	v5 =	vld [tilespmem:s18+$0x2B0]  }
0x192: {  	v0 =	vadd.f32 v2, v0;
	v2 =	vld [tilespmem:s18+$0x2C0]  }
0x193: {  	v1 =	vadd.f32 v4, v1;
	v4 =	vld [tilespmem:s18+$0x2D0]  }
0x194: {  	v0 =	vadd.f32 v6, v0;
	v6 =	vld [tilespmem:s18+$0x2E0]  }
0x195: {  	v1 =	vadd.f32 v3, v1;
	v3 =	vld [tilespmem:s18+$0x2F0]  }
0x196: {  	v0 =	vadd.f32 v5, v0;
	v5 =	vld [tilespmem:s18+$0x300]  }
0x197: {  	v1 =	vadd.f32 v2, v1;
	v2 =	vld [tilespmem:s18+$0x310]  }
0x198: {  	v0 =	vadd.f32 v4, v0;
	v4 =	vld [tilespmem:s18+$0x320]  }
0x199: {  	v1 =	vadd.f32 v6, v1;
	v6 =	vld [tilespmem:s18+$0x330]  }
0x19a: {  	v0 =	vadd.f32 v3, v0;
	v3 =	vld [tilespmem:s18+$0x340]  }
0x19b: {  	v1 =	vadd.f32 v5, v1;
	v5 =	vld [tilespmem:s18+$0x350]  }
0x19c: {  	v0 =	vadd.f32 v2, v0;
	v2 =	vld [tilespmem:s18+$0x360];
	s22 =	spop (v2sf)  }
0x19d: {  	v1 =	vadd.f32 v4, v1;
	v4 =	vld [tilespmem:s18+$0x370];
	s22 =	scvt.s32.f32 s22  }
0x19e: {  	v0 =	vadd.f32 v6, v0;
	v6 =	vld [tilespmem:s18+$0x380]  }
0x19f: {  	v1 =	vadd.f32 v3, v1;
	v3 =	vld [tilespmem:s18+$0x390];
	s22 =	sadd.f32 $1.000000020e-16, s22  }
0x1a0: {  	v0 =	vadd.f32 v5, v0;
	v5 =	vld [tilespmem:s18+$0x3A0]  }
0x1a1: {  	v1 =	vadd.f32 v2, v1;
	v2 =	vld [tilespmem:s18+$0x3B0];
	v7 =	vmov s22  }
0x1a2: {  	v0 =	vadd.f32 v4, v0;
	v4 =	vld [tilespmem:s18+$0x3C0];
	(erf) = vrcp.f32 v7  }
0x1a3: {  	v1 =	vadd.f32 v6, v1;
	v6 =	vld [tilespmem:s18+$0x3D0]  }
0x1a4: {  	v0 =	vadd.f32 v3, v0;
	v3 =	vld [tilespmem:s18+$0x3F0]  }
0x1a5: {  	v1 =	vadd.f32 v5, v1;
	v5 =	vld [tilespmem:s18+$0x3E0]  }
0x1a6: {  	v0 =	vadd.f32 v2, v0  }
0x1a7: {  	v1 =	vadd.f32 v4, v1  }
.Ltmp0:
0x1a8: {  	v0 =	vadd.f32 v6, v0;
	(pc) =	sbr.rel @p0 .LBB2_3-.Ltmp0, $4  }
0x1a9: {  	_ = 	snop  }
0x1aa: {  	v1 =	vadd.f32 v5, v1;
	v2 =	vadd.f32 v3, v0  }
0x1ab: {  	v3 =	vpop (erf)  }
0x1ac: {  	v0 =	vmul.f32 v3, v1;
	v1 =	vmul.f32 v3, v2  }
0x1ad: {  	_ = 	snop  }
0x1ae: {  	[tilespmem:s21+$0x0] =	vst v1  }
0x1af: {  	[tilespmem:s21+$0xFFFFFFF0] =	vst v0  }
0x1b0: {  	_ =	strace $0x9000004A  }
0x1b1: {  	s17 =	smul.u32 $0xD80, s17;
	_ =	strace $0x8000004B  }
0x1b2: {  	s16 =	sadd.s32 $0x1, s16;
	s18 =	rddreg [dreg:$0x1]  }
0x1b3: {  	s23 =	simm.s32 $0x0;
	p0 =	sne.s32 s16, $0x4;
	s17 =	sadd.s32 s18, s17  }
0x1b4: {  	[hbm4b:s17+s23] =	stream.linear.scatter [tilespmem:s23], [sflag:$0x2], $0x6C00, $0x200038;
	[tilespmem:$0x18C00] =	vst v63  }
.Ltmp1:
0x1b5: {  	_ = 	snop;
	(pc) =	sbr.rel @p0 .LBB2_2-.Ltmp1, $4  }
0x1b6: {  	_ =	swait.ge [sflag:s11], $0x6C00  }
0x1b7: {  	[sflag:s11] =	ssyncset.done $0x0  }
0x1b8: {  	[sflag:s11] =	ssyncadd.s32 $0xFFFF9400  }
0x1b9: {  	_ =	strace $0x9000004B  }
0x1ba: {  	s17 =	rddreg [dreg:$0x4]  }
0x1bb: {  	s16 =	rddreg [dreg:$0x3];
	s17 =	sadd.s32 $0x1, s17  }
0x1bc: {  	p0 =	sne.s32 s17, s16  }
.Ltmp2:
0x1bd: {  	_ = 	snop;
	(pc) =	sbr.rel @p0 .LBB2_1-.Ltmp2, $1  }
0x1be: {  	_ =	sdelay $0x3  }
0x1bf: {  	_ =	sfence.sel $0x180000  }
0x1c0: {  	[bflag:$0x0] =	sbarrier.arrive $0xFFFF  }
0x1c1: {  	_ =	strace $0x90000047  }
0x1c2: {  	s0 =	stileid.u32;
	[bflag:$0x2] =	sbarrier.arrive $0xFFFF  }
0x1c3: {  	p0 =	sne.s32 s0, $0x0;
	s0 =	rddreg [dreg:$0x2]  }
0x1c4: {  	s0 =	sadd.s32 @!p0 $0x100000, s0  }
0x1c5: {  	[sflag:s0] =	ssyncadd.tile.s32 @!p0 $0x1;
	_ =	shalt  }
.Lfunc_end2:
_tile_overlayer_lowered:
.L_overlay_start_2:
0x1c6: {  	(tag) =	ssettag $0x2  }
0x1c7: {  	s0 =	rddreg [dreg:$0x0];
	s2 =	stileid.u32  }
0x1c8: {  	s1 =	rddreg [dreg:$0x1];
	p0 =	sne.s32 s2, $0x0  }
0x1c9: {  	s3 =	rddreg [dreg:$0x2];
	[bflag:$0x3] =	sbarrier.arrive $0xFFFF;
	s2 =	simm.s32 @!p0 $0x1C02  }
0x1ca: {  	[timem:s3], [sflag:s2] =	dma.local @!p0 [hbm:s0], s1  }
0x1cb: {  	s0 =	simm.s32 @!p0 $0x2  }
0x1cc: {  	_ =	swait.ge @!p0 [sflag:s0], s1  }
0x1cd: {  	s1 =	ssub.s32 @!p0 $0x0, s1;
	[sflag:s0] =	ssyncset.done @!p0 $0x0  }
0x1ce: {  	[sflag:s0] =	ssyncadd.s32 @!p0 s1  }
0x1cf: {  	[bflag:$0x3] =	sbarrier.arrive $0xFFFF  }
0x1d0: {  	_ =	shalt  }

</sc_bundles>
